<compile_context>
chip_gen: v7x
topology: tpu7x:2x2x1
jax: 0.10.2.dev20260603
libtpu: 0.0.44.dev20260713+nightly
codegen_flags: <defaults>
</compile_context>

<pallas_src>
import functools

import jax
import jax.numpy as jnp
from jax import lax
from jax.experimental import pallas as pl
from jax.experimental.pallas import tpu as pltpu
from jax.experimental.pallas import tpu_sc as plsc

B, C, N_IN = 2, 32, 786432
K_OUT = N_IN // 4

NC, NS = 2, 16

IN_CHUNK = 32768
OUT_CHUNK = IN_CHUNK // 4
N_ITERS = N_IN // IN_CHUNK
UNROLL = 8
STEPS = OUT_CHUNK // 16

_mesh = plsc.VectorSubcoreMesh(core_axis_name="c", subcore_axis_name="s")


@functools.partial(
    pl.kernel,
    out_type=jax.ShapeDtypeStruct((B, C, K_OUT), jnp.float32),
    mesh=_mesh,
    scratch_types=[
        pltpu.VMEM((IN_CHUNK,), jnp.float32),
        pltpu.VMEM((IN_CHUNK,), jnp.float32),
        pltpu.VMEM((IN_CHUNK,), jnp.float32),
        pltpu.VMEM((OUT_CHUNK,), jnp.float32),
        pltpu.VMEM((OUT_CHUNK,), jnp.float32),
        pltpu.VMEM((OUT_CHUNK,), jnp.float32),
        pltpu.SemaphoreType.DMA,
        pltpu.SemaphoreType.DMA,
        pltpu.SemaphoreType.DMA,
        pltpu.SemaphoreType.DMA,
        pltpu.SemaphoreType.DMA,
        pltpu.SemaphoreType.DMA,
    ],
    compiler_params=pltpu.CompilerParams(needs_layout_passes=False),
)
def _sc_pool4(x_hbm, out_hbm, iv0, iv1, iv2, ov0, ov1, ov2,
              si0, si1, si2, so0, so1, so2):
    w = lax.axis_index("s") * NC + lax.axis_index("c")
    in_bufs = (iv0, iv1, iv2)
    out_bufs = (ov0, ov1, ov2)
    in_sems = (si0, si1, si2)
    out_sems = (so0, so1, so2)

    iota4 = lax.iota(jnp.int32, 16) * 4

    for b in range(B):
        def in_copy(i, slot, b=b):
            return pltpu.make_async_copy(
                x_hbm.at[b, w, pl.ds(i * IN_CHUNK, IN_CHUNK)],
                in_bufs[slot],
                in_sems[slot],
            )

        def out_copy(i, slot, b=b):
            return pltpu.make_async_copy(
                out_bufs[slot],
                out_hbm.at[b, w, pl.ds(i * OUT_CHUNK, OUT_CHUNK)],
                out_sems[slot],
            )

        in_copy(0, 0).start()
        in_copy(1, 1).start()

        def one_iter(i, slot):
            in_copy(i, slot).wait()

            @pl.when(i + 2 < N_ITERS)
            def _():
                in_copy(i + 2, (slot + 2) % 3).start()

            @pl.when(i >= 3)
            def _():
                out_copy(i - 3, slot).wait()

            in_ref = in_bufs[slot]
            out_ref = out_bufs[slot]

            @plsc.parallel_loop(0, STEPS, 1, unroll=UNROLL, carry=iota4)
            def _(t, idx):
                g0 = plsc.load_gather(in_ref, [idx])
                g1 = plsc.load_gather(in_ref, [idx + 1])
                g2 = plsc.load_gather(in_ref, [idx + 2])
                g3 = plsc.load_gather(in_ref, [idx + 3])
                out_ref[pl.ds(t * 16, 16)] = jnp.maximum(
                    jnp.maximum(g0, g1), jnp.maximum(g2, g3)
                )
                return idx + 64

            out_copy(i, slot).start()

        def triple(g, carry):
            one_iter(3 * g, 0)
            one_iter(3 * g + 1, 1)
            one_iter(3 * g + 2, 2)
            return carry

        lax.fori_loop(0, N_ITERS // 3, triple, 0, unroll=False)

        out_copy(N_ITERS - 3, 0).wait()
        out_copy(N_ITERS - 2, 1).wait()
        out_copy(N_ITERS - 1, 2).wait()


def kernel(x, children_idx, cell_ids_out):
    del children_idx
    return _sc_pool4(x), cell_ids_out

# --- scband reference (transcript-rebuilt; emitter-appended) ---
"""Pipeline reference for scband-sphere-down-geo-49392123904075 (READ-ONLY COPY).

The authoritative reference and input builder live on the scoring server;
editing this copy changes nothing except your own understanding.
"""

import jax, jax.numpy as jnp
import numpy as np

NSIDE_IN = 256
N_IN = 12 * NSIDE_IN * NSIDE_IN      # 786432 fine pixels (full sphere)
N_OUT = N_IN // 4                    # 196608 coarse pixels (nside_out = 128)
B, C = 2, 32


def setup_inputs(seed: int = 0) -> dict:
    key = jax.random.key(seed)
    x = jax.random.normal(key, (B, C, N_IN), dtype=jnp.float32)
    # Buffers derived in __init__ (mode='maxpool', full sphere):
    cell_ids_out = jnp.arange(N_OUT, dtype=jnp.int32)
    # children[p] = [4p, 4p+1, 4p+2, 4p+3] (NESTED indexing)
    children_idx = (4 * jnp.arange(N_OUT, dtype=jnp.int32)[:, None]
                    + jnp.arange(4, dtype=jnp.int32)[None, :])
    return {"x": x, "children_idx": children_idx, "cell_ids_out": cell_ids_out}


def reference(x, children_idx, cell_ids_out):
    # maxpool mode: y[b, c, p] = max over the 4 NESTED children of coarse pixel p
    K = children_idx.shape[0]
    gathered = jnp.take(x, children_idx.reshape(-1), axis=-1)          # [B, C, K*4]
    gathered = gathered.reshape(x.shape[0], x.shape[1], K, 4)          # [B, C, K, 4]
    y = jnp.max(gathered, axis=-1)                                     # [B, C, K]
    return (y, cell_ids_out)

if __name__ == "__main__":
    import jax
    _d = setup_inputs()
    print(jax.jit(kernel)(*tuple(_d.values())))

</pallas_src>

<mosaic_0001>
#map = affine_map<(d0, d1) -> (0, 0, 0)>
module attributes {stable_mosaic.version = 14 : i64} {
  func.func @_sc_pool4(%arg0: i32, %arg1: i32, %arg2: memref<2x32x786432xf32, #tpu.memory_space<hbm>>, %arg3: memref<2x32x196608xf32, #tpu.memory_space<hbm>>, %arg4: memref<32768xf32, #tpu.memory_space<vmem>>, %arg5: memref<32768xf32, #tpu.memory_space<vmem>>, %arg6: memref<32768xf32, #tpu.memory_space<vmem>>, %arg7: memref<8192xf32, #tpu.memory_space<vmem>>, %arg8: memref<8192xf32, #tpu.memory_space<vmem>>, %arg9: memref<8192xf32, #tpu.memory_space<vmem>>, %arg10: memref<!tpu.dma_semaphore, #tpu.memory_space<semaphore_mem>>, %arg11: memref<!tpu.dma_semaphore, #tpu.memory_space<semaphore_mem>>, %arg12: memref<!tpu.dma_semaphore, #tpu.memory_space<semaphore_mem>>, %arg13: memref<!tpu.dma_semaphore, #tpu.memory_space<semaphore_mem>>, %arg14: memref<!tpu.dma_semaphore, #tpu.memory_space<semaphore_mem>>, %arg15: memref<!tpu.dma_semaphore, #tpu.memory_space<semaphore_mem>>) attributes {dimension_semantics = [#tpu.dimension_semantics<core_parallel>, #tpu.dimension_semantics<subcore_parallel>], iteration_bounds = array<i64: 2, 16>, scalar_prefetch = 0 : i64, scratch_operands = 12 : i64, tpu.core_type = #tpu.core_type<sc_vector_subcore>, window_params = [{transform_indices = #map}, {transform_indices = #map}]} {
    %mul3A = arith.constant 2 : i32
    %mul3A_0 = arith.muli %arg1, %mul3A : i32
    %add3A = arith.addi %mul3A_0, %arg0 : i32
    %iota3A = tpu.iota {dimensions = array<i32: 0>} : vector<16xi32>
    %mul3A_1 = arith.constant 4 : i32
    %mul3A_2 = vector.broadcast %mul3A_1 : i32 to vector<16xi32>
    %mul3A_3 = arith.muli %iota3A, %mul3A_2 : vector<16xi32>
    %dma_start3A = arith.constant 0 : i32
    %dma_start3A_4 = arith.constant 0 : i32
    %dma_start3A_5 = tpu.memref_slice %arg2[%dma_start3A, %add3A, %dma_start3A_4] : memref<2x32x786432xf32, #tpu.memory_space<hbm>> -> memref<1x1x32768xf32, #tpu.memory_space<hbm>>
    %dma_start3A_6 = tpu.memref_squeeze %dma_start3A_5 : memref<1x1x32768xf32, #tpu.memory_space<hbm>> -> memref<32768xf32, #tpu.memory_space<hbm>>
    %dma_start3A_7 = arith.constant 0 : i32
    %dma_start3A_8 = tpu.memref_slice %arg2[%dma_start3A, %add3A, %dma_start3A_7] : memref<2x32x786432xf32, #tpu.memory_space<hbm>> -> memref<1x1x32768xf32, #tpu.memory_space<hbm>>
    %dma_start3A_9 = tpu.memref_squeeze %dma_start3A_8 : memref<1x1x32768xf32, #tpu.memory_space<hbm>> -> memref<32768xf32, #tpu.memory_space<hbm>>
    tpu.enqueue_dma source(%dma_start3A_9 : memref<32768xf32, #tpu.memory_space<hbm>>) target(%arg4 : memref<32768xf32, #tpu.memory_space<vmem>>) target_semaphore(%arg10 : memref<!tpu.dma_semaphore, #tpu.memory_space<semaphore_mem>>)
    %dma_start3A_10 = arith.constant 0 : i32
    %dma_start3A_11 = arith.constant 32768 : i32
    %dma_start3A_12 = tpu.memref_slice %arg2[%dma_start3A_10, %add3A, %dma_start3A_11] : memref<2x32x786432xf32, #tpu.memory_space<hbm>> -> memref<1x1x32768xf32, #tpu.memory_space<hbm>>
    %dma_start3A_13 = tpu.memref_squeeze %dma_start3A_12 : memref<1x1x32768xf32, #tpu.memory_space<hbm>> -> memref<32768xf32, #tpu.memory_space<hbm>>
    %dma_start3A_14 = arith.constant 32768 : i32
    %dma_start3A_15 = tpu.memref_slice %arg2[%dma_start3A_10, %add3A, %dma_start3A_14] : memref<2x32x786432xf32, #tpu.memory_space<hbm>> -> memref<1x1x32768xf32, #tpu.memory_space<hbm>>
    %dma_start3A_16 = tpu.memref_squeeze %dma_start3A_15 : memref<1x1x32768xf32, #tpu.memory_space<hbm>> -> memref<32768xf32, #tpu.memory_space<hbm>>
    tpu.enqueue_dma source(%dma_start3A_16 : memref<32768xf32, #tpu.memory_space<hbm>>) target(%arg5 : memref<32768xf32, #tpu.memory_space<vmem>>) target_semaphore(%arg11 : memref<!tpu.dma_semaphore, #tpu.memory_space<semaphore_mem>>)
    %scan3A = arith.constant 0 : i32
    %scan3A_17 = arith.constant 0 : i32
    %scan3A_18 = arith.constant 8 : i32
    %scan3A_19 = arith.addi %scan3A_17, %scan3A_18 : i32
    %scan3A_20 = arith.constant 1 : i32
    scf.for %scan3A_83 = %scan3A_17 to %scan3A_19 step %scan3A_20  : i32 {
      %mul3A_84 = arith.constant 3 : i32
      %mul3A_85 = arith.muli %mul3A_84, %scan3A_83 : i32
      %mul3A_86 = arith.constant 32768 : i32
      %mul3A_87 = arith.muli %mul3A_85, %mul3A_86 : i32
      %dma_wait3A_88 = arith.constant 0 : i32
      %dma_wait3A_89 = tpu.memref_slice %arg2[%dma_wait3A_88, %add3A, %mul3A_87] : memref<2x32x786432xf32, #tpu.memory_space<hbm>> -> memref<1x1x32768xf32, #tpu.memory_space<hbm>>
      %dma_wait3A_90 = tpu.memref_squeeze %dma_wait3A_89 : memref<1x1x32768xf32, #tpu.memory_space<hbm>> -> memref<32768xf32, #tpu.memory_space<hbm>>
      %dma_wait3A_91 = tpu.memref_slice %arg2[%dma_wait3A_88, %add3A, %mul3A_87] : memref<2x32x786432xf32, #tpu.memory_space<hbm>> -> memref<1x1x32768xf32, #tpu.memory_space<hbm>>
      %dma_wait3A_92 = tpu.memref_squeeze %dma_wait3A_91 : memref<1x1x32768xf32, #tpu.memory_space<hbm>> -> memref<32768xf32, #tpu.memory_space<hbm>>
      tpu.wait_dma2 semaphore(%arg10 : memref<!tpu.dma_semaphore, #tpu.memory_space<semaphore_mem>>) src(%dma_wait3A_92 : memref<32768xf32, #tpu.memory_space<hbm>>) dst(%arg4 : memref<32768xf32, #tpu.memory_space<vmem>>)
      %add3A_93 = arith.constant 2 : i32
      %add3A_94 = arith.addi %mul3A_85, %add3A_93 : i32
      %lt3A = arith.constant 24 : i32
      %lt3A_95 = arith.cmpi slt, %add3A_94, %lt3A : i32
      %convert_element_type3A = arith.extui %lt3A_95 : i1 to i32
      %cond3A = arith.constant 0 : i32
      %cond3A_96 = arith.cmpi ne, %convert_element_type3A, %cond3A : i32
      scf.if %cond3A_96 {
        %add3A_179 = arith.constant 2 : i32
        %add3A_180 = arith.addi %mul3A_85, %add3A_179 : i32
        %mul3A_181 = arith.constant 32768 : i32
        %mul3A_182 = arith.muli %add3A_180, %mul3A_181 : i32
        %dma_start3A_183 = arith.constant 0 : i32
        %dma_start3A_184 = tpu.memref_slice %arg2[%dma_start3A_183, %add3A, %mul3A_182] : memref<2x32x786432xf32, #tpu.memory_space<hbm>> -> memref<1x1x32768xf32, #tpu.memory_space<hbm>>
        %dma_start3A_185 = tpu.memref_squeeze %dma_start3A_184 : memref<1x1x32768xf32, #tpu.memory_space<hbm>> -> memref<32768xf32, #tpu.memory_space<hbm>>
        %dma_start3A_186 = tpu.memref_slice %arg2[%dma_start3A_183, %add3A, %mul3A_182] : memref<2x32x786432xf32, #tpu.memory_space<hbm>> -> memref<1x1x32768xf32, #tpu.memory_space<hbm>>
        %dma_start3A_187 = tpu.memref_squeeze %dma_start3A_186 : memref<1x1x32768xf32, #tpu.memory_space<hbm>> -> memref<32768xf32, #tpu.memory_space<hbm>>
        tpu.enqueue_dma source(%dma_start3A_187 : memref<32768xf32, #tpu.memory_space<hbm>>) target(%arg6 : memref<32768xf32, #tpu.memory_space<vmem>>) target_semaphore(%arg12 : memref<!tpu.dma_semaphore, #tpu.memory_space<semaphore_mem>>)
      } else {
      }
      %ge3A = arith.constant 3 : i32
      %ge3A_97 = arith.cmpi sge, %mul3A_85, %ge3A : i32
      %convert_element_type3A_98 = arith.extui %ge3A_97 : i1 to i32
      %cond3A_99 = arith.constant 0 : i32
      %cond3A_100 = arith.cmpi ne, %convert_element_type3A_98, %cond3A_99 : i32
      scf.if %cond3A_100 {
        %sub3A = arith.constant 3 : i32
        %sub3A_179 = arith.subi %mul3A_85, %sub3A : i32
        %mul3A_180 = arith.constant 8192 : i32
        %mul3A_181 = arith.muli %sub3A_179, %mul3A_180 : i32
        %dma_wait3A_182 = arith.constant 0 : i32
        %dma_wait3A_183 = tpu.memref_slice %arg3[%dma_wait3A_182, %add3A, %mul3A_181] : memref<2x32x196608xf32, #tpu.memory_space<hbm>> -> memref<1x1x8192xf32, #tpu.memory_space<hbm>>
        %dma_wait3A_184 = tpu.memref_squeeze %dma_wait3A_183 : memref<1x1x8192xf32, #tpu.memory_space<hbm>> -> memref<8192xf32, #tpu.memory_space<hbm>>
        %dma_wait3A_185 = tpu.memref_slice %arg3[%dma_wait3A_182, %add3A, %mul3A_181] : memref<2x32x196608xf32, #tpu.memory_space<hbm>> -> memref<1x1x8192xf32, #tpu.memory_space<hbm>>
        %dma_wait3A_186 = tpu.memref_squeeze %dma_wait3A_185 : memref<1x1x8192xf32, #tpu.memory_space<hbm>> -> memref<8192xf32, #tpu.memory_space<hbm>>
        tpu.wait_dma2 semaphore(%arg13 : memref<!tpu.dma_semaphore, #tpu.memory_space<semaphore_mem>>) src(%arg7 : memref<8192xf32, #tpu.memory_space<vmem>>) dst(%dma_wait3A_186 : memref<8192xf32, #tpu.memory_space<hbm>>)
      } else {
      }
      %parallel_loop3A = arith.constant 0 : i32
      %parallel_loop3A_101 = arith.constant 512 : i32
      %parallel_loop3A_102 = arith.constant 1 : i32
      %parallel_loop3A_103 = scf.for %parallel_loop3A_179 = %parallel_loop3A to %parallel_loop3A_101 step %parallel_loop3A_102 iter_args(%parallel_loop3A_180 = %mul3A_3) -> (vector<16xi32>)  : i32 {
        %parallel_loop3A_181 = tpu.vector_load_idx %arg4[%parallel_loop3A_180] : memref<32768xf32, #tpu.memory_space<vmem>>[vector<16xi32>], vector<16xf32>,
        %parallel_loop3A_182 = arith.constant 1 : i32
        %parallel_loop3A_183 = vector.broadcast %parallel_loop3A_182 : i32 to vector<16xi32>
        %parallel_loop3A_184 = arith.addi %parallel_loop3A_180, %parallel_loop3A_183 : vector<16xi32>
        %parallel_loop3A_185 = tpu.vector_load_idx %arg4[%parallel_loop3A_184] : memref<32768xf32, #tpu.memory_space<vmem>>[vector<16xi32>], vector<16xf32>,
        %parallel_loop3A_186 = arith.constant 2 : i32
        %parallel_loop3A_187 = vector.broadcast %parallel_loop3A_186 : i32 to vector<16xi32>
        %parallel_loop3A_188 = arith.addi %parallel_loop3A_180, %parallel_loop3A_187 : vector<16xi32>
        %parallel_loop3A_189 = tpu.vector_load_idx %arg4[%parallel_loop3A_188] : memref<32768xf32, #tpu.memory_space<vmem>>[vector<16xi32>], vector<16xf32>,
        %parallel_loop3A_190 = arith.constant 3 : i32
        %parallel_loop3A_191 = vector.broadcast %parallel_loop3A_190 : i32 to vector<16xi32>
        %parallel_loop3A_192 = arith.addi %parallel_loop3A_180, %parallel_loop3A_191 : vector<16xi32>
        %parallel_loop3A_193 = tpu.vector_load_idx %arg4[%parallel_loop3A_192] : memref<32768xf32, #tpu.memory_space<vmem>>[vector<16xi32>], vector<16xf32>,
        %parallel_loop3A_194 = arith.maximumf %parallel_loop3A_181, %parallel_loop3A_185 : vector<16xf32>
        %parallel_loop3A_195 = arith.maximumf %parallel_loop3A_189, %parallel_loop3A_193 : vector<16xf32>
        %parallel_loop3A_196 = arith.maximumf %parallel_loop3A_194, %parallel_loop3A_195 : vector<16xf32>
        %parallel_loop3A_197 = arith.constant 16 : i32
        %parallel_loop3A_198 = arith.muli %parallel_loop3A_179, %parallel_loop3A_197 : i32
        %parallel_loop3A_199 = arith.index_cast %parallel_loop3A_198 : i32 to index
        %parallel_loop3A_200 = tpu.vector_load %arg7[%parallel_loop3A_199] {strides = array<i32>} : memref<8192xf32, #tpu.memory_space<vmem>>, vector<16xf32>,
        tpu.vector_store %arg7[%parallel_loop3A_199], %parallel_loop3A_196 {strides = array<i32>} : memref<8192xf32, #tpu.memory_space<vmem>>, vector<16xf32>,
        %parallel_loop3A_201 = arith.constant 64 : i32
        %parallel_loop3A_202 = vector.broadcast %parallel_loop3A_201 : i32 to vector<16xi32>
        %parallel_loop3A_203 = arith.addi %parallel_loop3A_180, %parallel_loop3A_202 : vector<16xi32>
        scf.yield %parallel_loop3A_203 : vector<16xi32>
      } {sc.loop_unroll_factor = 8 : i64, sc.parallel_access}
      %mul3A_104 = arith.constant 8192 : i32
      %mul3A_105 = arith.muli %mul3A_85, %mul3A_104 : i32
      %dma_start3A_106 = arith.constant 0 : i32
      %dma_start3A_107 = tpu.memref_slice %arg3[%dma_start3A_106, %add3A, %mul3A_105] : memref<2x32x196608xf32, #tpu.memory_space<hbm>> -> memref<1x1x8192xf32, #tpu.memory_space<hbm>>
      %dma_start3A_108 = tpu.memref_squeeze %dma_start3A_107 : memref<1x1x8192xf32, #tpu.memory_space<hbm>> -> memref<8192xf32, #tpu.memory_space<hbm>>
      %dma_start3A_109 = tpu.memref_slice %arg3[%dma_start3A_106, %add3A, %mul3A_105] : memref<2x32x196608xf32, #tpu.memory_space<hbm>> -> memref<1x1x8192xf32, #tpu.memory_space<hbm>>
      %dma_start3A_110 = tpu.memref_squeeze %dma_start3A_109 : memref<1x1x8192xf32, #tpu.memory_space<hbm>> -> memref<8192xf32, #tpu.memory_space<hbm>>
      tpu.enqueue_dma source(%arg7 : memref<8192xf32, #tpu.memory_space<vmem>>) target(%dma_start3A_110 : memref<8192xf32, #tpu.memory_space<hbm>>) target_semaphore(%arg13 : memref<!tpu.dma_semaphore, #tpu.memory_space<semaphore_mem>>)
      %mul3A_111 = arith.constant 3 : i32
      %mul3A_112 = arith.muli %mul3A_111, %scan3A_83 : i32
      %add3A_113 = arith.constant 1 : i32
      %add3A_114 = arith.addi %mul3A_112, %add3A_113 : i32
      %mul3A_115 = arith.constant 32768 : i32
      %mul3A_116 = arith.muli %add3A_114, %mul3A_115 : i32
      %dma_wait3A_117 = arith.constant 0 : i32
      %dma_wait3A_118 = tpu.memref_slice %arg2[%dma_wait3A_117, %add3A, %mul3A_116] : memref<2x32x786432xf32, #tpu.memory_space<hbm>> -> memref<1x1x32768xf32, #tpu.memory_space<hbm>>
      %dma_wait3A_119 = tpu.memref_squeeze %dma_wait3A_118 : memref<1x1x32768xf32, #tpu.memory_space<hbm>> -> memref<32768xf32, #tpu.memory_space<hbm>>
      %dma_wait3A_120 = tpu.memref_slice %arg2[%dma_wait3A_117, %add3A, %mul3A_116] : memref<2x32x786432xf32, #tpu.memory_space<hbm>> -> memref<1x1x32768xf32, #tpu.memory_space<hbm>>
      %dma_wait3A_121 = tpu.memref_squeeze %dma_wait3A_120 : memref<1x1x32768xf32, #tpu.memory_space<hbm>> -> memref<32768xf32, #tpu.memory_space<hbm>>
      tpu.wait_dma2 semaphore(%arg11 : memref<!tpu.dma_semaphore, #tpu.memory_space<semaphore_mem>>) src(%dma_wait3A_121 : memref<32768xf32, #tpu.memory_space<hbm>>) dst(%arg5 : memref<32768xf32, #tpu.memory_space<vmem>>)
      %add3A_122 = arith.constant 2 : i32
      %add3A_123 = arith.addi %add3A_114, %add3A_122 : i32
      %lt3A_124 = arith.constant 24 : i32
      %lt3A_125 = arith.cmpi slt, %add3A_123, %lt3A_124 : i32
      %convert_element_type3A_126 = arith.extui %lt3A_125 : i1 to i32
      %cond3A_127 = arith.constant 0 : i32
      %cond3A_128 = arith.cmpi ne, %convert_element_type3A_126, %cond3A_127 : i32
      scf.if %cond3A_128 {
        %add3A_179 = arith.constant 2 : i32
        %add3A_180 = arith.addi %add3A_114, %add3A_179 : i32
        %mul3A_181 = arith.constant 32768 : i32
        %mul3A_182 = arith.muli %add3A_180, %mul3A_181 : i32
        %dma_start3A_183 = arith.constant 0 : i32
        %dma_start3A_184 = tpu.memref_slice %arg2[%dma_start3A_183, %add3A, %mul3A_182] : memref<2x32x786432xf32, #tpu.memory_space<hbm>> -> memref<1x1x32768xf32, #tpu.memory_space<hbm>>
        %dma_start3A_185 = tpu.memref_squeeze %dma_start3A_184 : memref<1x1x32768xf32, #tpu.memory_space<hbm>> -> memref<32768xf32, #tpu.memory_space<hbm>>
        %dma_start3A_186 = tpu.memref_slice %arg2[%dma_start3A_183, %add3A, %mul3A_182] : memref<2x32x786432xf32, #tpu.memory_space<hbm>> -> memref<1x1x32768xf32, #tpu.memory_space<hbm>>
        %dma_start3A_187 = tpu.memref_squeeze %dma_start3A_186 : memref<1x1x32768xf32, #tpu.memory_space<hbm>> -> memref<32768xf32, #tpu.memory_space<hbm>>
        tpu.enqueue_dma source(%dma_start3A_187 : memref<32768xf32, #tpu.memory_space<hbm>>) target(%arg4 : memref<32768xf32, #tpu.memory_space<vmem>>) target_semaphore(%arg10 : memref<!tpu.dma_semaphore, #tpu.memory_space<semaphore_mem>>)
      } else {
      }
      %ge3A_129 = arith.constant 3 : i32
      %ge3A_130 = arith.cmpi sge, %add3A_114, %ge3A_129 : i32
      %convert_element_type3A_131 = arith.extui %ge3A_130 : i1 to i32
      %cond3A_132 = arith.constant 0 : i32
      %cond3A_133 = arith.cmpi ne, %convert_element_type3A_131, %cond3A_132 : i32
      scf.if %cond3A_133 {
        %sub3A = arith.constant 3 : i32
        %sub3A_179 = arith.subi %add3A_114, %sub3A : i32
        %mul3A_180 = arith.constant 8192 : i32
        %mul3A_181 = arith.muli %sub3A_179, %mul3A_180 : i32
        %dma_wait3A_182 = arith.constant 0 : i32
        %dma_wait3A_183 = tpu.memref_slice %arg3[%dma_wait3A_182, %add3A, %mul3A_181] : memref<2x32x196608xf32, #tpu.memory_space<hbm>> -> memref<1x1x8192xf32, #tpu.memory_space<hbm>>
        %dma_wait3A_184 = tpu.memref_squeeze %dma_wait3A_183 : memref<1x1x8192xf32, #tpu.memory_space<hbm>> -> memref<8192xf32, #tpu.memory_space<hbm>>
        %dma_wait3A_185 = tpu.memref_slice %arg3[%dma_wait3A_182, %add3A, %mul3A_181] : memref<2x32x196608xf32, #tpu.memory_space<hbm>> -> memref<1x1x8192xf32, #tpu.memory_space<hbm>>
        %dma_wait3A_186 = tpu.memref_squeeze %dma_wait3A_185 : memref<1x1x8192xf32, #tpu.memory_space<hbm>> -> memref<8192xf32, #tpu.memory_space<hbm>>
        tpu.wait_dma2 semaphore(%arg14 : memref<!tpu.dma_semaphore, #tpu.memory_space<semaphore_mem>>) src(%arg8 : memref<8192xf32, #tpu.memory_space<vmem>>) dst(%dma_wait3A_186 : memref<8192xf32, #tpu.memory_space<hbm>>)
      } else {
      }
      %parallel_loop3A_134 = arith.constant 0 : i32
      %parallel_loop3A_135 = arith.constant 512 : i32
      %parallel_loop3A_136 = arith.constant 1 : i32
      %parallel_loop3A_137 = scf.for %parallel_loop3A_179 = %parallel_loop3A_134 to %parallel_loop3A_135 step %parallel_loop3A_136 iter_args(%parallel_loop3A_180 = %mul3A_3) -> (vector<16xi32>)  : i32 {
        %parallel_loop3A_181 = tpu.vector_load_idx %arg5[%parallel_loop3A_180] : memref<32768xf32, #tpu.memory_space<vmem>>[vector<16xi32>], vector<16xf32>,
        %parallel_loop3A_182 = arith.constant 1 : i32
        %parallel_loop3A_183 = vector.broadcast %parallel_loop3A_182 : i32 to vector<16xi32>
        %parallel_loop3A_184 = arith.addi %parallel_loop3A_180, %parallel_loop3A_183 : vector<16xi32>
        %parallel_loop3A_185 = tpu.vector_load_idx %arg5[%parallel_loop3A_184] : memref<32768xf32, #tpu.memory_space<vmem>>[vector<16xi32>], vector<16xf32>,
        %parallel_loop3A_186 = arith.constant 2 : i32
        %parallel_loop3A_187 = vector.broadcast %parallel_loop3A_186 : i32 to vector<16xi32>
        %parallel_loop3A_188 = arith.addi %parallel_loop3A_180, %parallel_loop3A_187 : vector<16xi32>
        %parallel_loop3A_189 = tpu.vector_load_idx %arg5[%parallel_loop3A_188] : memref<32768xf32, #tpu.memory_space<vmem>>[vector<16xi32>], vector<16xf32>,
        %parallel_loop3A_190 = arith.constant 3 : i32
        %parallel_loop3A_191 = vector.broadcast %parallel_loop3A_190 : i32 to vector<16xi32>
        %parallel_loop3A_192 = arith.addi %parallel_loop3A_180, %parallel_loop3A_191 : vector<16xi32>
        %parallel_loop3A_193 = tpu.vector_load_idx %arg5[%parallel_loop3A_192] : memref<32768xf32, #tpu.memory_space<vmem>>[vector<16xi32>], vector<16xf32>,
        %parallel_loop3A_194 = arith.maximumf %parallel_loop3A_181, %parallel_loop3A_185 : vector<16xf32>
        %parallel_loop3A_195 = arith.maximumf %parallel_loop3A_189, %parallel_loop3A_193 : vector<16xf32>
        %parallel_loop3A_196 = arith.maximumf %parallel_loop3A_194, %parallel_loop3A_195 : vector<16xf32>
        %parallel_loop3A_197 = arith.constant 16 : i32
        %parallel_loop3A_198 = arith.muli %parallel_loop3A_179, %parallel_loop3A_197 : i32
        %parallel_loop3A_199 = arith.index_cast %parallel_loop3A_198 : i32 to index
        %parallel_loop3A_200 = tpu.vector_load %arg8[%parallel_loop3A_199] {strides = array<i32>} : memref<8192xf32, #tpu.memory_space<vmem>>, vector<16xf32>,
        tpu.vector_store %arg8[%parallel_loop3A_199], %parallel_loop3A_196 {strides = array<i32>} : memref<8192xf32, #tpu.memory_space<vmem>>, vector<16xf32>,
        %parallel_loop3A_201 = arith.constant 64 : i32
        %parallel_loop3A_202 = vector.broadcast %parallel_loop3A_201 : i32 to vector<16xi32>
        %parallel_loop3A_203 = arith.addi %parallel_loop3A_180, %parallel_loop3A_202 : vector<16xi32>
        scf.yield %parallel_loop3A_203 : vector<16xi32>
      } {sc.loop_unroll_factor = 8 : i64, sc.parallel_access}
      %mul3A_138 = arith.constant 8192 : i32
      %mul3A_139 = arith.muli %add3A_114, %mul3A_138 : i32
      %dma_start3A_140 = arith.constant 0 : i32
      %dma_start3A_141 = tpu.memref_slice %arg3[%dma_start3A_140, %add3A, %mul3A_139] : memref<2x32x196608xf32, #tpu.memory_space<hbm>> -> memref<1x1x8192xf32, #tpu.memory_space<hbm>>
      %dma_start3A_142 = tpu.memref_squeeze %dma_start3A_141 : memref<1x1x8192xf32, #tpu.memory_space<hbm>> -> memref<8192xf32, #tpu.memory_space<hbm>>
      %dma_start3A_143 = tpu.memref_slice %arg3[%dma_start3A_140, %add3A, %mul3A_139] : memref<2x32x196608xf32, #tpu.memory_space<hbm>> -> memref<1x1x8192xf32, #tpu.memory_space<hbm>>
      %dma_start3A_144 = tpu.memref_squeeze %dma_start3A_143 : memref<1x1x8192xf32, #tpu.memory_space<hbm>> -> memref<8192xf32, #tpu.memory_space<hbm>>
      tpu.enqueue_dma source(%arg8 : memref<8192xf32, #tpu.memory_space<vmem>>) target(%dma_start3A_144 : memref<8192xf32, #tpu.memory_space<hbm>>) target_semaphore(%arg14 : memref<!tpu.dma_semaphore, #tpu.memory_space<semaphore_mem>>)
      %mul3A_145 = arith.constant 3 : i32
      %mul3A_146 = arith.muli %mul3A_145, %scan3A_83 : i32
      %add3A_147 = arith.constant 2 : i32
      %add3A_148 = arith.addi %mul3A_146, %add3A_147 : i32
      %mul3A_149 = arith.constant 32768 : i32
      %mul3A_150 = arith.muli %add3A_148, %mul3A_149 : i32
      %dma_wait3A_151 = arith.constant 0 : i32
      %dma_wait3A_152 = tpu.memref_slice %arg2[%dma_wait3A_151, %add3A, %mul3A_150] : memref<2x32x786432xf32, #tpu.memory_space<hbm>> -> memref<1x1x32768xf32, #tpu.memory_space<hbm>>
      %dma_wait3A_153 = tpu.memref_squeeze %dma_wait3A_152 : memref<1x1x32768xf32, #tpu.memory_space<hbm>> -> memref<32768xf32, #tpu.memory_space<hbm>>
      %dma_wait3A_154 = tpu.memref_slice %arg2[%dma_wait3A_151, %add3A, %mul3A_150] : memref<2x32x786432xf32, #tpu.memory_space<hbm>> -> memref<1x1x32768xf32, #tpu.memory_space<hbm>>
      %dma_wait3A_155 = tpu.memref_squeeze %dma_wait3A_154 : memref<1x1x32768xf32, #tpu.memory_space<hbm>> -> memref<32768xf32, #tpu.memory_space<hbm>>
      tpu.wait_dma2 semaphore(%arg12 : memref<!tpu.dma_semaphore, #tpu.memory_space<semaphore_mem>>) src(%dma_wait3A_155 : memref<32768xf32, #tpu.memory_space<hbm>>) dst(%arg6 : memref<32768xf32, #tpu.memory_space<vmem>>)
      %add3A_156 = arith.constant 2 : i32
      %add3A_157 = arith.addi %add3A_148, %add3A_156 : i32
      %lt3A_158 = arith.constant 24 : i32
      %lt3A_159 = arith.cmpi slt, %add3A_157, %lt3A_158 : i32
      %convert_element_type3A_160 = arith.extui %lt3A_159 : i1 to i32
      %cond3A_161 = arith.constant 0 : i32
      %cond3A_162 = arith.cmpi ne, %convert_element_type3A_160, %cond3A_161 : i32
      scf.if %cond3A_162 {
        %add3A_179 = arith.constant 2 : i32
        %add3A_180 = arith.addi %add3A_148, %add3A_179 : i32
        %mul3A_181 = arith.constant 32768 : i32
        %mul3A_182 = arith.muli %add3A_180, %mul3A_181 : i32
        %dma_start3A_183 = arith.constant 0 : i32
        %dma_start3A_184 = tpu.memref_slice %arg2[%dma_start3A_183, %add3A, %mul3A_182] : memref<2x32x786432xf32, #tpu.memory_space<hbm>> -> memref<1x1x32768xf32, #tpu.memory_space<hbm>>
        %dma_start3A_185 = tpu.memref_squeeze %dma_start3A_184 : memref<1x1x32768xf32, #tpu.memory_space<hbm>> -> memref<32768xf32, #tpu.memory_space<hbm>>
        %dma_start3A_186 = tpu.memref_slice %arg2[%dma_start3A_183, %add3A, %mul3A_182] : memref<2x32x786432xf32, #tpu.memory_space<hbm>> -> memref<1x1x32768xf32, #tpu.memory_space<hbm>>
        %dma_start3A_187 = tpu.memref_squeeze %dma_start3A_186 : memref<1x1x32768xf32, #tpu.memory_space<hbm>> -> memref<32768xf32, #tpu.memory_space<hbm>>
        tpu.enqueue_dma source(%dma_start3A_187 : memref<32768xf32, #tpu.memory_space<hbm>>) target(%arg5 : memref<32768xf32, #tpu.memory_space<vmem>>) target_semaphore(%arg11 : memref<!tpu.dma_semaphore, #tpu.memory_space<semaphore_mem>>)
      } else {
      }
      %ge3A_163 = arith.constant 3 : i32
      %ge3A_164 = arith.cmpi sge, %add3A_148, %ge3A_163 : i32
      %convert_element_type3A_165 = arith.extui %ge3A_164 : i1 to i32
      %cond3A_166 = arith.constant 0 : i32
      %cond3A_167 = arith.cmpi ne, %convert_element_type3A_165, %cond3A_166 : i32
      scf.if %cond3A_167 {
        %sub3A = arith.constant 3 : i32
        %sub3A_179 = arith.subi %add3A_148, %sub3A : i32
        %mul3A_180 = arith.constant 8192 : i32
        %mul3A_181 = arith.muli %sub3A_179, %mul3A_180 : i32
        %dma_wait3A_182 = arith.constant 0 : i32
        %dma_wait3A_183 = tpu.memref_slice %arg3[%dma_wait3A_182, %add3A, %mul3A_181] : memref<2x32x196608xf32, #tpu.memory_space<hbm>> -> memref<1x1x8192xf32, #tpu.memory_space<hbm>>
        %dma_wait3A_184 = tpu.memref_squeeze %dma_wait3A_183 : memref<1x1x8192xf32, #tpu.memory_space<hbm>> -> memref<8192xf32, #tpu.memory_space<hbm>>
        %dma_wait3A_185 = tpu.memref_slice %arg3[%dma_wait3A_182, %add3A, %mul3A_181] : memref<2x32x196608xf32, #tpu.memory_space<hbm>> -> memref<1x1x8192xf32, #tpu.memory_space<hbm>>
        %dma_wait3A_186 = tpu.memref_squeeze %dma_wait3A_185 : memref<1x1x8192xf32, #tpu.memory_space<hbm>> -> memref<8192xf32, #tpu.memory_space<hbm>>
        tpu.wait_dma2 semaphore(%arg15 : memref<!tpu.dma_semaphore, #tpu.memory_space<semaphore_mem>>) src(%arg9 : memref<8192xf32, #tpu.memory_space<vmem>>) dst(%dma_wait3A_186 : memref<8192xf32, #tpu.memory_space<hbm>>)
      } else {
      }
      %parallel_loop3A_168 = arith.constant 0 : i32
      %parallel_loop3A_169 = arith.constant 512 : i32
      %parallel_loop3A_170 = arith.constant 1 : i32
      %parallel_loop3A_171 = scf.for %parallel_loop3A_179 = %parallel_loop3A_168 to %parallel_loop3A_169 step %parallel_loop3A_170 iter_args(%parallel_loop3A_180 = %mul3A_3) -> (vector<16xi32>)  : i32 {
        %parallel_loop3A_181 = tpu.vector_load_idx %arg6[%parallel_loop3A_180] : memref<32768xf32, #tpu.memory_space<vmem>>[vector<16xi32>], vector<16xf32>,
        %parallel_loop3A_182 = arith.constant 1 : i32
        %parallel_loop3A_183 = vector.broadcast %parallel_loop3A_182 : i32 to vector<16xi32>
        %parallel_loop3A_184 = arith.addi %parallel_loop3A_180, %parallel_loop3A_183 : vector<16xi32>
        %parallel_loop3A_185 = tpu.vector_load_idx %arg6[%parallel_loop3A_184] : memref<32768xf32, #tpu.memory_space<vmem>>[vector<16xi32>], vector<16xf32>,
        %parallel_loop3A_186 = arith.constant 2 : i32
        %parallel_loop3A_187 = vector.broadcast %parallel_loop3A_186 : i32 to vector<16xi32>
        %parallel_loop3A_188 = arith.addi %parallel_loop3A_180, %parallel_loop3A_187 : vector<16xi32>
        %parallel_loop3A_189 = tpu.vector_load_idx %arg6[%parallel_loop3A_188] : memref<32768xf32, #tpu.memory_space<vmem>>[vector<16xi32>], vector<16xf32>,
        %parallel_loop3A_190 = arith.constant 3 : i32
        %parallel_loop3A_191 = vector.broadcast %parallel_loop3A_190 : i32 to vector<16xi32>
        %parallel_loop3A_192 = arith.addi %parallel_loop3A_180, %parallel_loop3A_191 : vector<16xi32>
        %parallel_loop3A_193 = tpu.vector_load_idx %arg6[%parallel_loop3A_192] : memref<32768xf32, #tpu.memory_space<vmem>>[vector<16xi32>], vector<16xf32>,
        %parallel_loop3A_194 = arith.maximumf %parallel_loop3A_181, %parallel_loop3A_185 : vector<16xf32>
        %parallel_loop3A_195 = arith.maximumf %parallel_loop3A_189, %parallel_loop3A_193 : vector<16xf32>
        %parallel_loop3A_196 = arith.maximumf %parallel_loop3A_194, %parallel_loop3A_195 : vector<16xf32>
        %parallel_loop3A_197 = arith.constant 16 : i32
        %parallel_loop3A_198 = arith.muli %parallel_loop3A_179, %parallel_loop3A_197 : i32
        %parallel_loop3A_199 = arith.index_cast %parallel_loop3A_198 : i32 to index
        %parallel_loop3A_200 = tpu.vector_load %arg9[%parallel_loop3A_199] {strides = array<i32>} : memref<8192xf32, #tpu.memory_space<vmem>>, vector<16xf32>,
        tpu.vector_store %arg9[%parallel_loop3A_199], %parallel_loop3A_196 {strides = array<i32>} : memref<8192xf32, #tpu.memory_space<vmem>>, vector<16xf32>,
        %parallel_loop3A_201 = arith.constant 64 : i32
        %parallel_loop3A_202 = vector.broadcast %parallel_loop3A_201 : i32 to vector<16xi32>
        %parallel_loop3A_203 = arith.addi %parallel_loop3A_180, %parallel_loop3A_202 : vector<16xi32>
        scf.yield %parallel_loop3A_203 : vector<16xi32>
      } {sc.loop_unroll_factor = 8 : i64, sc.parallel_access}
      %mul3A_172 = arith.constant 8192 : i32
      %mul3A_173 = arith.muli %add3A_148, %mul3A_172 : i32
      %dma_start3A_174 = arith.constant 0 : i32
      %dma_start3A_175 = tpu.memref_slice %arg3[%dma_start3A_174, %add3A, %mul3A_173] : memref<2x32x196608xf32, #tpu.memory_space<hbm>> -> memref<1x1x8192xf32, #tpu.memory_space<hbm>>
      %dma_start3A_176 = tpu.memref_squeeze %dma_start3A_175 : memref<1x1x8192xf32, #tpu.memory_space<hbm>> -> memref<8192xf32, #tpu.memory_space<hbm>>
      %dma_start3A_177 = tpu.memref_slice %arg3[%dma_start3A_174, %add3A, %mul3A_173] : memref<2x32x196608xf32, #tpu.memory_space<hbm>> -> memref<1x1x8192xf32, #tpu.memory_space<hbm>>
      %dma_start3A_178 = tpu.memref_squeeze %dma_start3A_177 : memref<1x1x8192xf32, #tpu.memory_space<hbm>> -> memref<8192xf32, #tpu.memory_space<hbm>>
      tpu.enqueue_dma source(%arg9 : memref<8192xf32, #tpu.memory_space<vmem>>) target(%dma_start3A_178 : memref<8192xf32, #tpu.memory_space<hbm>>) target_semaphore(%arg15 : memref<!tpu.dma_semaphore, #tpu.memory_space<semaphore_mem>>)
    }
    %scan3A_21 = arith.constant 8 : i32
    %dma_wait3A = arith.constant 0 : i32
    %dma_wait3A_22 = arith.constant 172032 : i32
    %dma_wait3A_23 = tpu.memref_slice %arg3[%dma_wait3A, %add3A, %dma_wait3A_22] : memref<2x32x196608xf32, #tpu.memory_space<hbm>> -> memref<1x1x8192xf32, #tpu.memory_space<hbm>>
    %dma_wait3A_24 = tpu.memref_squeeze %dma_wait3A_23 : memref<1x1x8192xf32, #tpu.memory_space<hbm>> -> memref<8192xf32, #tpu.memory_space<hbm>>
    %dma_wait3A_25 = arith.constant 172032 : i32
    %dma_wait3A_26 = tpu.memref_slice %arg3[%dma_wait3A, %add3A, %dma_wait3A_25] : memref<2x32x196608xf32, #tpu.memory_space<hbm>> -> memref<1x1x8192xf32, #tpu.memory_space<hbm>>
    %dma_wait3A_27 = tpu.memref_squeeze %dma_wait3A_26 : memref<1x1x8192xf32, #tpu.memory_space<hbm>> -> memref<8192xf32, #tpu.memory_space<hbm>>
    tpu.wait_dma2 semaphore(%arg13 : memref<!tpu.dma_semaphore, #tpu.memory_space<semaphore_mem>>) src(%arg7 : memref<8192xf32, #tpu.memory_space<vmem>>) dst(%dma_wait3A_27 : memref<8192xf32, #tpu.memory_space<hbm>>)
    %dma_wait3A_28 = arith.constant 0 : i32
    %dma_wait3A_29 = arith.constant 180224 : i32
    %dma_wait3A_30 = tpu.memref_slice %arg3[%dma_wait3A_28, %add3A, %dma_wait3A_29] : memref<2x32x196608xf32, #tpu.memory_space<hbm>> -> memref<1x1x8192xf32, #tpu.memory_space<hbm>>
    %dma_wait3A_31 = tpu.memref_squeeze %dma_wait3A_30 : memref<1x1x8192xf32, #tpu.memory_space<hbm>> -> memref<8192xf32, #tpu.memory_space<hbm>>
    %dma_wait3A_32 = arith.constant 180224 : i32
    %dma_wait3A_33 = tpu.memref_slice %arg3[%dma_wait3A_28, %add3A, %dma_wait3A_32] : memref<2x32x196608xf32, #tpu.memory_space<hbm>> -> memref<1x1x8192xf32, #tpu.memory_space<hbm>>
    %dma_wait3A_34 = tpu.memref_squeeze %dma_wait3A_33 : memref<1x1x8192xf32, #tpu.memory_space<hbm>> -> memref<8192xf32, #tpu.memory_space<hbm>>
    tpu.wait_dma2 semaphore(%arg14 : memref<!tpu.dma_semaphore, #tpu.memory_space<semaphore_mem>>) src(%arg8 : memref<8192xf32, #tpu.memory_space<vmem>>) dst(%dma_wait3A_34 : memref<8192xf32, #tpu.memory_space<hbm>>)
    %dma_wait3A_35 = arith.constant 0 : i32
    %dma_wait3A_36 = arith.constant 188416 : i32
    %dma_wait3A_37 = tpu.memref_slice %arg3[%dma_wait3A_35, %add3A, %dma_wait3A_36] : memref<2x32x196608xf32, #tpu.memory_space<hbm>> -> memref<1x1x8192xf32, #tpu.memory_space<hbm>>
    %dma_wait3A_38 = tpu.memref_squeeze %dma_wait3A_37 : memref<1x1x8192xf32, #tpu.memory_space<hbm>> -> memref<8192xf32, #tpu.memory_space<hbm>>
    %dma_wait3A_39 = arith.constant 188416 : i32
    %dma_wait3A_40 = tpu.memref_slice %arg3[%dma_wait3A_35, %add3A, %dma_wait3A_39] : memref<2x32x196608xf32, #tpu.memory_space<hbm>> -> memref<1x1x8192xf32, #tpu.memory_space<hbm>>
    %dma_wait3A_41 = tpu.memref_squeeze %dma_wait3A_40 : memref<1x1x8192xf32, #tpu.memory_space<hbm>> -> memref<8192xf32, #tpu.memory_space<hbm>>
    tpu.wait_dma2 semaphore(%arg15 : memref<!tpu.dma_semaphore, #tpu.memory_space<semaphore_mem>>) src(%arg9 : memref<8192xf32, #tpu.memory_space<vmem>>) dst(%dma_wait3A_41 : memref<8192xf32, #tpu.memory_space<hbm>>)
    %dma_start3A_42 = arith.constant 1 : i32
    %dma_start3A_43 = arith.constant 0 : i32
    %dma_start3A_44 = tpu.memref_slice %arg2[%dma_start3A_42, %add3A, %dma_start3A_43] : memref<2x32x786432xf32, #tpu.memory_space<hbm>> -> memref<1x1x32768xf32, #tpu.memory_space<hbm>>
    %dma_start3A_45 = tpu.memref_squeeze %dma_start3A_44 : memref<1x1x32768xf32, #tpu.memory_space<hbm>> -> memref<32768xf32, #tpu.memory_space<hbm>>
    %dma_start3A_46 = arith.constant 0 : i32
    %dma_start3A_47 = tpu.memref_slice %arg2[%dma_start3A_42, %add3A, %dma_start3A_46] : memref<2x32x786432xf32, #tpu.memory_space<hbm>> -> memref<1x1x32768xf32, #tpu.memory_space<hbm>>
    %dma_start3A_48 = tpu.memref_squeeze %dma_start3A_47 : memref<1x1x32768xf32, #tpu.memory_space<hbm>> -> memref<32768xf32, #tpu.memory_space<hbm>>
    tpu.enqueue_dma source(%dma_start3A_48 : memref<32768xf32, #tpu.memory_space<hbm>>) target(%arg4 : memref<32768xf32, #tpu.memory_space<vmem>>) target_semaphore(%arg10 : memref<!tpu.dma_semaphore, #tpu.memory_space<semaphore_mem>>)
    %dma_start3A_49 = arith.constant 1 : i32
    %dma_start3A_50 = arith.constant 32768 : i32
    %dma_start3A_51 = tpu.memref_slice %arg2[%dma_start3A_49, %add3A, %dma_start3A_50] : memref<2x32x786432xf32, #tpu.memory_space<hbm>> -> memref<1x1x32768xf32, #tpu.memory_space<hbm>>
    %dma_start3A_52 = tpu.memref_squeeze %dma_start3A_51 : memref<1x1x32768xf32, #tpu.memory_space<hbm>> -> memref<32768xf32, #tpu.memory_space<hbm>>
    %dma_start3A_53 = arith.constant 32768 : i32
    %dma_start3A_54 = tpu.memref_slice %arg2[%dma_start3A_49, %add3A, %dma_start3A_53] : memref<2x32x786432xf32, #tpu.memory_space<hbm>> -> memref<1x1x32768xf32, #tpu.memory_space<hbm>>
    %dma_start3A_55 = tpu.memref_squeeze %dma_start3A_54 : memref<1x1x32768xf32, #tpu.memory_space<hbm>> -> memref<32768xf32, #tpu.memory_space<hbm>>
    tpu.enqueue_dma source(%dma_start3A_55 : memref<32768xf32, #tpu.memory_space<hbm>>) target(%arg5 : memref<32768xf32, #tpu.memory_space<vmem>>) target_semaphore(%arg11 : memref<!tpu.dma_semaphore, #tpu.memory_space<semaphore_mem>>)
    %scan3A_56 = arith.constant 0 : i32
    %scan3A_57 = arith.constant 0 : i32
    %scan3A_58 = arith.constant 8 : i32
    %scan3A_59 = arith.addi %scan3A_57, %scan3A_58 : i32
    %scan3A_60 = arith.constant 1 : i32
    scf.for %scan3A_83 = %scan3A_57 to %scan3A_59 step %scan3A_60  : i32 {
      %mul3A_84 = arith.constant 3 : i32
      %mul3A_85 = arith.muli %mul3A_84, %scan3A_83 : i32
      %mul3A_86 = arith.constant 32768 : i32
      %mul3A_87 = arith.muli %mul3A_85, %mul3A_86 : i32
      %dma_wait3A_88 = arith.constant 1 : i32
      %dma_wait3A_89 = tpu.memref_slice %arg2[%dma_wait3A_88, %add3A, %mul3A_87] : memref<2x32x786432xf32, #tpu.memory_space<hbm>> -> memref<1x1x32768xf32, #tpu.memory_space<hbm>>
      %dma_wait3A_90 = tpu.memref_squeeze %dma_wait3A_89 : memref<1x1x32768xf32, #tpu.memory_space<hbm>> -> memref<32768xf32, #tpu.memory_space<hbm>>
      %dma_wait3A_91 = tpu.memref_slice %arg2[%dma_wait3A_88, %add3A, %mul3A_87] : memref<2x32x786432xf32, #tpu.memory_space<hbm>> -> memref<1x1x32768xf32, #tpu.memory_space<hbm>>
      %dma_wait3A_92 = tpu.memref_squeeze %dma_wait3A_91 : memref<1x1x32768xf32, #tpu.memory_space<hbm>> -> memref<32768xf32, #tpu.memory_space<hbm>>
      tpu.wait_dma2 semaphore(%arg10 : memref<!tpu.dma_semaphore, #tpu.memory_space<semaphore_mem>>) src(%dma_wait3A_92 : memref<32768xf32, #tpu.memory_space<hbm>>) dst(%arg4 : memref<32768xf32, #tpu.memory_space<vmem>>)
      %add3A_93 = arith.constant 2 : i32
      %add3A_94 = arith.addi %mul3A_85, %add3A_93 : i32
      %lt3A = arith.constant 24 : i32
      %lt3A_95 = arith.cmpi slt, %add3A_94, %lt3A : i32
      %convert_element_type3A = arith.extui %lt3A_95 : i1 to i32
      %cond3A = arith.constant 0 : i32
      %cond3A_96 = arith.cmpi ne, %convert_element_type3A, %cond3A : i32
      scf.if %cond3A_96 {
        %add3A_179 = arith.constant 2 : i32
        %add3A_180 = arith.addi %mul3A_85, %add3A_179 : i32
        %mul3A_181 = arith.constant 32768 : i32
        %mul3A_182 = arith.muli %add3A_180, %mul3A_181 : i32
        %dma_start3A_183 = arith.constant 1 : i32
        %dma_start3A_184 = tpu.memref_slice %arg2[%dma_start3A_183, %add3A, %mul3A_182] : memref<2x32x786432xf32, #tpu.memory_space<hbm>> -> memref<1x1x32768xf32, #tpu.memory_space<hbm>>
        %dma_start3A_185 = tpu.memref_squeeze %dma_start3A_184 : memref<1x1x32768xf32, #tpu.memory_space<hbm>> -> memref<32768xf32, #tpu.memory_space<hbm>>
        %dma_start3A_186 = tpu.memref_slice %arg2[%dma_start3A_183, %add3A, %mul3A_182] : memref<2x32x786432xf32, #tpu.memory_space<hbm>> -> memref<1x1x32768xf32, #tpu.memory_space<hbm>>
        %dma_start3A_187 = tpu.memref_squeeze %dma_start3A_186 : memref<1x1x32768xf32, #tpu.memory_space<hbm>> -> memref<32768xf32, #tpu.memory_space<hbm>>
        tpu.enqueue_dma source(%dma_start3A_187 : memref<32768xf32, #tpu.memory_space<hbm>>) target(%arg6 : memref<32768xf32, #tpu.memory_space<vmem>>) target_semaphore(%arg12 : memref<!tpu.dma_semaphore, #tpu.memory_space<semaphore_mem>>)
      } else {
      }
      %ge3A = arith.constant 3 : i32
      %ge3A_97 = arith.cmpi sge, %mul3A_85, %ge3A : i32
      %convert_element_type3A_98 = arith.extui %ge3A_97 : i1 to i32
      %cond3A_99 = arith.constant 0 : i32
      %cond3A_100 = arith.cmpi ne, %convert_element_type3A_98, %cond3A_99 : i32
      scf.if %cond3A_100 {
        %sub3A = arith.constant 3 : i32
        %sub3A_179 = arith.subi %mul3A_85, %sub3A : i32
        %mul3A_180 = arith.constant 8192 : i32
        %mul3A_181 = arith.muli %sub3A_179, %mul3A_180 : i32
        %dma_wait3A_182 = arith.constant 1 : i32
        %dma_wait3A_183 = tpu.memref_slice %arg3[%dma_wait3A_182, %add3A, %mul3A_181] : memref<2x32x196608xf32, #tpu.memory_space<hbm>> -> memref<1x1x8192xf32, #tpu.memory_space<hbm>>
        %dma_wait3A_184 = tpu.memref_squeeze %dma_wait3A_183 : memref<1x1x8192xf32, #tpu.memory_space<hbm>> -> memref<8192xf32, #tpu.memory_space<hbm>>
        %dma_wait3A_185 = tpu.memref_slice %arg3[%dma_wait3A_182, %add3A, %mul3A_181] : memref<2x32x196608xf32, #tpu.memory_space<hbm>> -> memref<1x1x8192xf32, #tpu.memory_space<hbm>>
        %dma_wait3A_186 = tpu.memref_squeeze %dma_wait3A_185 : memref<1x1x8192xf32, #tpu.memory_space<hbm>> -> memref<8192xf32, #tpu.memory_space<hbm>>
        tpu.wait_dma2 semaphore(%arg13 : memref<!tpu.dma_semaphore, #tpu.memory_space<semaphore_mem>>) src(%arg7 : memref<8192xf32, #tpu.memory_space<vmem>>) dst(%dma_wait3A_186 : memref<8192xf32, #tpu.memory_space<hbm>>)
      } else {
      }
      %parallel_loop3A = arith.constant 0 : i32
      %parallel_loop3A_101 = arith.constant 512 : i32
      %parallel_loop3A_102 = arith.constant 1 : i32
      %parallel_loop3A_103 = scf.for %parallel_loop3A_179 = %parallel_loop3A to %parallel_loop3A_101 step %parallel_loop3A_102 iter_args(%parallel_loop3A_180 = %mul3A_3) -> (vector<16xi32>)  : i32 {
        %parallel_loop3A_181 = tpu.vector_load_idx %arg4[%parallel_loop3A_180] : memref<32768xf32, #tpu.memory_space<vmem>>[vector<16xi32>], vector<16xf32>,
        %parallel_loop3A_182 = arith.constant 1 : i32
        %parallel_loop3A_183 = vector.broadcast %parallel_loop3A_182 : i32 to vector<16xi32>
        %parallel_loop3A_184 = arith.addi %parallel_loop3A_180, %parallel_loop3A_183 : vector<16xi32>
        %parallel_loop3A_185 = tpu.vector_load_idx %arg4[%parallel_loop3A_184] : memref<32768xf32, #tpu.memory_space<vmem>>[vector<16xi32>], vector<16xf32>,
        %parallel_loop3A_186 = arith.constant 2 : i32
        %parallel_loop3A_187 = vector.broadcast %parallel_loop3A_186 : i32 to vector<16xi32>
        %parallel_loop3A_188 = arith.addi %parallel_loop3A_180, %parallel_loop3A_187 : vector<16xi32>
        %parallel_loop3A_189 = tpu.vector_load_idx %arg4[%parallel_loop3A_188] : memref<32768xf32, #tpu.memory_space<vmem>>[vector<16xi32>], vector<16xf32>,
        %parallel_loop3A_190 = arith.constant 3 : i32
        %parallel_loop3A_191 = vector.broadcast %parallel_loop3A_190 : i32 to vector<16xi32>
        %parallel_loop3A_192 = arith.addi %parallel_loop3A_180, %parallel_loop3A_191 : vector<16xi32>
        %parallel_loop3A_193 = tpu.vector_load_idx %arg4[%parallel_loop3A_192] : memref<32768xf32, #tpu.memory_space<vmem>>[vector<16xi32>], vector<16xf32>,
        %parallel_loop3A_194 = arith.maximumf %parallel_loop3A_181, %parallel_loop3A_185 : vector<16xf32>
        %parallel_loop3A_195 = arith.maximumf %parallel_loop3A_189, %parallel_loop3A_193 : vector<16xf32>
        %parallel_loop3A_196 = arith.maximumf %parallel_loop3A_194, %parallel_loop3A_195 : vector<16xf32>
        %parallel_loop3A_197 = arith.constant 16 : i32
        %parallel_loop3A_198 = arith.muli %parallel_loop3A_179, %parallel_loop3A_197 : i32
        %parallel_loop3A_199 = arith.index_cast %parallel_loop3A_198 : i32 to index
        %parallel_loop3A_200 = tpu.vector_load %arg7[%parallel_loop3A_199] {strides = array<i32>} : memref<8192xf32, #tpu.memory_space<vmem>>, vector<16xf32>,
        tpu.vector_store %arg7[%parallel_loop3A_199], %parallel_loop3A_196 {strides = array<i32>} : memref<8192xf32, #tpu.memory_space<vmem>>, vector<16xf32>,
        %parallel_loop3A_201 = arith.constant 64 : i32
        %parallel_loop3A_202 = vector.broadcast %parallel_loop3A_201 : i32 to vector<16xi32>
        %parallel_loop3A_203 = arith.addi %parallel_loop3A_180, %parallel_loop3A_202 : vector<16xi32>
        scf.yield %parallel_loop3A_203 : vector<16xi32>
      } {sc.loop_unroll_factor = 8 : i64, sc.parallel_access}
      %mul3A_104 = arith.constant 8192 : i32
      %mul3A_105 = arith.muli %mul3A_85, %mul3A_104 : i32
      %dma_start3A_106 = arith.constant 1 : i32
      %dma_start3A_107 = tpu.memref_slice %arg3[%dma_start3A_106, %add3A, %mul3A_105] : memref<2x32x196608xf32, #tpu.memory_space<hbm>> -> memref<1x1x8192xf32, #tpu.memory_space<hbm>>
      %dma_start3A_108 = tpu.memref_squeeze %dma_start3A_107 : memref<1x1x8192xf32, #tpu.memory_space<hbm>> -> memref<8192xf32, #tpu.memory_space<hbm>>
      %dma_start3A_109 = tpu.memref_slice %arg3[%dma_start3A_106, %add3A, %mul3A_105] : memref<2x32x196608xf32, #tpu.memory_space<hbm>> -> memref<1x1x8192xf32, #tpu.memory_space<hbm>>
      %dma_start3A_110 = tpu.memref_squeeze %dma_start3A_109 : memref<1x1x8192xf32, #tpu.memory_space<hbm>> -> memref<8192xf32, #tpu.memory_space<hbm>>
      tpu.enqueue_dma source(%arg7 : memref<8192xf32, #tpu.memory_space<vmem>>) target(%dma_start3A_110 : memref<8192xf32, #tpu.memory_space<hbm>>) target_semaphore(%arg13 : memref<!tpu.dma_semaphore, #tpu.memory_space<semaphore_mem>>)
      %mul3A_111 = arith.constant 3 : i32
      %mul3A_112 = arith.muli %mul3A_111, %scan3A_83 : i32
      %add3A_113 = arith.constant 1 : i32
      %add3A_114 = arith.addi %mul3A_112, %add3A_113 : i32
      %mul3A_115 = arith.constant 32768 : i32
      %mul3A_116 = arith.muli %add3A_114, %mul3A_115 : i32
      %dma_wait3A_117 = arith.constant 1 : i32
      %dma_wait3A_118 = tpu.memref_slice %arg2[%dma_wait3A_117, %add3A, %mul3A_116] : memref<2x32x786432xf32, #tpu.memory_space<hbm>> -> memref<1x1x32768xf32, #tpu.memory_space<hbm>>
      %dma_wait3A_119 = tpu.memref_squeeze %dma_wait3A_118 : memref<1x1x32768xf32, #tpu.memory_space<hbm>> -> memref<32768xf32, #tpu.memory_space<hbm>>
      %dma_wait3A_120 = tpu.memref_slice %arg2[%dma_wait3A_117, %add3A, %mul3A_116] : memref<2x32x786432xf32, #tpu.memory_space<hbm>> -> memref<1x1x32768xf32, #tpu.memory_space<hbm>>
      %dma_wait3A_121 = tpu.memref_squeeze %dma_wait3A_120 : memref<1x1x32768xf32, #tpu.memory_space<hbm>> -> memref<32768xf32, #tpu.memory_space<hbm>>
      tpu.wait_dma2 semaphore(%arg11 : memref<!tpu.dma_semaphore, #tpu.memory_space<semaphore_mem>>) src(%dma_wait3A_121 : memref<32768xf32, #tpu.memory_space<hbm>>) dst(%arg5 : memref<32768xf32, #tpu.memory_space<vmem>>)
      %add3A_122 = arith.constant 2 : i32
      %add3A_123 = arith.addi %add3A_114, %add3A_122 : i32
      %lt3A_124 = arith.constant 24 : i32
      %lt3A_125 = arith.cmpi slt, %add3A_123, %lt3A_124 : i32
      %convert_element_type3A_126 = arith.extui %lt3A_125 : i1 to i32
      %cond3A_127 = arith.constant 0 : i32
      %cond3A_128 = arith.cmpi ne, %convert_element_type3A_126, %cond3A_127 : i32
      scf.if %cond3A_128 {
        %add3A_179 = arith.constant 2 : i32
        %add3A_180 = arith.addi %add3A_114, %add3A_179 : i32
        %mul3A_181 = arith.constant 32768 : i32
        %mul3A_182 = arith.muli %add3A_180, %mul3A_181 : i32
        %dma_start3A_183 = arith.constant 1 : i32
        %dma_start3A_184 = tpu.memref_slice %arg2[%dma_start3A_183, %add3A, %mul3A_182] : memref<2x32x786432xf32, #tpu.memory_space<hbm>> -> memref<1x1x32768xf32, #tpu.memory_space<hbm>>
        %dma_start3A_185 = tpu.memref_squeeze %dma_start3A_184 : memref<1x1x32768xf32, #tpu.memory_space<hbm>> -> memref<32768xf32, #tpu.memory_space<hbm>>
        %dma_start3A_186 = tpu.memref_slice %arg2[%dma_start3A_183, %add3A, %mul3A_182] : memref<2x32x786432xf32, #tpu.memory_space<hbm>> -> memref<1x1x32768xf32, #tpu.memory_space<hbm>>
        %dma_start3A_187 = tpu.memref_squeeze %dma_start3A_186 : memref<1x1x32768xf32, #tpu.memory_space<hbm>> -> memref<32768xf32, #tpu.memory_space<hbm>>
        tpu.enqueue_dma source(%dma_start3A_187 : memref<32768xf32, #tpu.memory_space<hbm>>) target(%arg4 : memref<32768xf32, #tpu.memory_space<vmem>>) target_semaphore(%arg10 : memref<!tpu.dma_semaphore, #tpu.memory_space<semaphore_mem>>)
      } else {
      }
      %ge3A_129 = arith.constant 3 : i32
      %ge3A_130 = arith.cmpi sge, %add3A_114, %ge3A_129 : i32
      %convert_element_type3A_131 = arith.extui %ge3A_130 : i1 to i32
      %cond3A_132 = arith.constant 0 : i32
      %cond3A_133 = arith.cmpi ne, %convert_element_type3A_131, %cond3A_132 : i32
      scf.if %cond3A_133 {
        %sub3A = arith.constant 3 : i32
        %sub3A_179 = arith.subi %add3A_114, %sub3A : i32
        %mul3A_180 = arith.constant 8192 : i32
        %mul3A_181 = arith.muli %sub3A_179, %mul3A_180 : i32
        %dma_wait3A_182 = arith.constant 1 : i32
        %dma_wait3A_183 = tpu.memref_slice %arg3[%dma_wait3A_182, %add3A, %mul3A_181] : memref<2x32x196608xf32, #tpu.memory_space<hbm>> -> memref<1x1x8192xf32, #tpu.memory_space<hbm>>
        %dma_wait3A_184 = tpu.memref_squeeze %dma_wait3A_183 : memref<1x1x8192xf32, #tpu.memory_space<hbm>> -> memref<8192xf32, #tpu.memory_space<hbm>>
        %dma_wait3A_185 = tpu.memref_slice %arg3[%dma_wait3A_182, %add3A, %mul3A_181] : memref<2x32x196608xf32, #tpu.memory_space<hbm>> -> memref<1x1x8192xf32, #tpu.memory_space<hbm>>
        %dma_wait3A_186 = tpu.memref_squeeze %dma_wait3A_185 : memref<1x1x8192xf32, #tpu.memory_space<hbm>> -> memref<8192xf32, #tpu.memory_space<hbm>>
        tpu.wait_dma2 semaphore(%arg14 : memref<!tpu.dma_semaphore, #tpu.memory_space<semaphore_mem>>) src(%arg8 : memref<8192xf32, #tpu.memory_space<vmem>>) dst(%dma_wait3A_186 : memref<8192xf32, #tpu.memory_space<hbm>>)
      } else {
      }
      %parallel_loop3A_134 = arith.constant 0 : i32
      %parallel_loop3A_135 = arith.constant 512 : i32
      %parallel_loop3A_136 = arith.constant 1 : i32
      %parallel_loop3A_137 = scf.for %parallel_loop3A_179 = %parallel_loop3A_134 to %parallel_loop3A_135 step %parallel_loop3A_136 iter_args(%parallel_loop3A_180 = %mul3A_3) -> (vector<16xi32>)  : i32 {
        %parallel_loop3A_181 = tpu.vector_load_idx %arg5[%parallel_loop3A_180] : memref<32768xf32, #tpu.memory_space<vmem>>[vector<16xi32>], vector<16xf32>,
        %parallel_loop3A_182 = arith.constant 1 : i32
        %parallel_loop3A_183 = vector.broadcast %parallel_loop3A_182 : i32 to vector<16xi32>
        %parallel_loop3A_184 = arith.addi %parallel_loop3A_180, %parallel_loop3A_183 : vector<16xi32>
        %parallel_loop3A_185 = tpu.vector_load_idx %arg5[%parallel_loop3A_184] : memref<32768xf32, #tpu.memory_space<vmem>>[vector<16xi32>], vector<16xf32>,
        %parallel_loop3A_186 = arith.constant 2 : i32
        %parallel_loop3A_187 = vector.broadcast %parallel_loop3A_186 : i32 to vector<16xi32>
        %parallel_loop3A_188 = arith.addi %parallel_loop3A_180, %parallel_loop3A_187 : vector<16xi32>
        %parallel_loop3A_189 = tpu.vector_load_idx %arg5[%parallel_loop3A_188] : memref<32768xf32, #tpu.memory_space<vmem>>[vector<16xi32>], vector<16xf32>,
        %parallel_loop3A_190 = arith.constant 3 : i32
        %parallel_loop3A_191 = vector.broadcast %parallel_loop3A_190 : i32 to vector<16xi32>
        %parallel_loop3A_192 = arith.addi %parallel_loop3A_180, %parallel_loop3A_191 : vector<16xi32>
        %parallel_loop3A_193 = tpu.vector_load_idx %arg5[%parallel_loop3A_192] : memref<32768xf32, #tpu.memory_space<vmem>>[vector<16xi32>], vector<16xf32>,
        %parallel_loop3A_194 = arith.maximumf %parallel_loop3A_181, %parallel_loop3A_185 : vector<16xf32>
        %parallel_loop3A_195 = arith.maximumf %parallel_loop3A_189, %parallel_loop3A_193 : vector<16xf32>
        %parallel_loop3A_196 = arith.maximumf %parallel_loop3A_194, %parallel_loop3A_195 : vector<16xf32>
        %parallel_loop3A_197 = arith.constant 16 : i32
        %parallel_loop3A_198 = arith.muli %parallel_loop3A_179, %parallel_loop3A_197 : i32
        %parallel_loop3A_199 = arith.index_cast %parallel_loop3A_198 : i32 to index
        %parallel_loop3A_200 = tpu.vector_load %arg8[%parallel_loop3A_199] {strides = array<i32>} : memref<8192xf32, #tpu.memory_space<vmem>>, vector<16xf32>,
        tpu.vector_store %arg8[%parallel_loop3A_199], %parallel_loop3A_196 {strides = array<i32>} : memref<8192xf32, #tpu.memory_space<vmem>>, vector<16xf32>,
        %parallel_loop3A_201 = arith.constant 64 : i32
        %parallel_loop3A_202 = vector.broadcast %parallel_loop3A_201 : i32 to vector<16xi32>
        %parallel_loop3A_203 = arith.addi %parallel_loop3A_180, %parallel_loop3A_202 : vector<16xi32>
        scf.yield %parallel_loop3A_203 : vector<16xi32>
      } {sc.loop_unroll_factor = 8 : i64, sc.parallel_access}
      %mul3A_138 = arith.constant 8192 : i32
      %mul3A_139 = arith.muli %add3A_114, %mul3A_138 : i32
      %dma_start3A_140 = arith.constant 1 : i32
      %dma_start3A_141 = tpu.memref_slice %arg3[%dma_start3A_140, %add3A, %mul3A_139] : memref<2x32x196608xf32, #tpu.memory_space<hbm>> -> memref<1x1x8192xf32, #tpu.memory_space<hbm>>
      %dma_start3A_142 = tpu.memref_squeeze %dma_start3A_141 : memref<1x1x8192xf32, #tpu.memory_space<hbm>> -> memref<8192xf32, #tpu.memory_space<hbm>>
      %dma_start3A_143 = tpu.memref_slice %arg3[%dma_start3A_140, %add3A, %mul3A_139] : memref<2x32x196608xf32, #tpu.memory_space<hbm>> -> memref<1x1x8192xf32, #tpu.memory_space<hbm>>
      %dma_start3A_144 = tpu.memref_squeeze %dma_start3A_143 : memref<1x1x8192xf32, #tpu.memory_space<hbm>> -> memref<8192xf32, #tpu.memory_space<hbm>>
      tpu.enqueue_dma source(%arg8 : memref<8192xf32, #tpu.memory_space<vmem>>) target(%dma_start3A_144 : memref<8192xf32, #tpu.memory_space<hbm>>) target_semaphore(%arg14 : memref<!tpu.dma_semaphore, #tpu.memory_space<semaphore_mem>>)
      %mul3A_145 = arith.constant 3 : i32
      %mul3A_146 = arith.muli %mul3A_145, %scan3A_83 : i32
      %add3A_147 = arith.constant 2 : i32
      %add3A_148 = arith.addi %mul3A_146, %add3A_147 : i32
      %mul3A_149 = arith.constant 32768 : i32
      %mul3A_150 = arith.muli %add3A_148, %mul3A_149 : i32
      %dma_wait3A_151 = arith.constant 1 : i32
      %dma_wait3A_152 = tpu.memref_slice %arg2[%dma_wait3A_151, %add3A, %mul3A_150] : memref<2x32x786432xf32, #tpu.memory_space<hbm>> -> memref<1x1x32768xf32, #tpu.memory_space<hbm>>
      %dma_wait3A_153 = tpu.memref_squeeze %dma_wait3A_152 : memref<1x1x32768xf32, #tpu.memory_space<hbm>> -> memref<32768xf32, #tpu.memory_space<hbm>>
      %dma_wait3A_154 = tpu.memref_slice %arg2[%dma_wait3A_151, %add3A, %mul3A_150] : memref<2x32x786432xf32, #tpu.memory_space<hbm>> -> memref<1x1x32768xf32, #tpu.memory_space<hbm>>
      %dma_wait3A_155 = tpu.memref_squeeze %dma_wait3A_154 : memref<1x1x32768xf32, #tpu.memory_space<hbm>> -> memref<32768xf32, #tpu.memory_space<hbm>>
      tpu.wait_dma2 semaphore(%arg12 : memref<!tpu.dma_semaphore, #tpu.memory_space<semaphore_mem>>) src(%dma_wait3A_155 : memref<32768xf32, #tpu.memory_space<hbm>>) dst(%arg6 : memref<32768xf32, #tpu.memory_space<vmem>>)
      %add3A_156 = arith.constant 2 : i32
      %add3A_157 = arith.addi %add3A_148, %add3A_156 : i32
      %lt3A_158 = arith.constant 24 : i32
      %lt3A_159 = arith.cmpi slt, %add3A_157, %lt3A_158 : i32
      %convert_element_type3A_160 = arith.extui %lt3A_159 : i1 to i32
      %cond3A_161 = arith.constant 0 : i32
      %cond3A_162 = arith.cmpi ne, %convert_element_type3A_160, %cond3A_161 : i32
      scf.if %cond3A_162 {
        %add3A_179 = arith.constant 2 : i32
        %add3A_180 = arith.addi %add3A_148, %add3A_179 : i32
        %mul3A_181 = arith.constant 32768 : i32
        %mul3A_182 = arith.muli %add3A_180, %mul3A_181 : i32
        %dma_start3A_183 = arith.constant 1 : i32
        %dma_start3A_184 = tpu.memref_slice %arg2[%dma_start3A_183, %add3A, %mul3A_182] : memref<2x32x786432xf32, #tpu.memory_space<hbm>> -> memref<1x1x32768xf32, #tpu.memory_space<hbm>>
        %dma_start3A_185 = tpu.memref_squeeze %dma_start3A_184 : memref<1x1x32768xf32, #tpu.memory_space<hbm>> -> memref<32768xf32, #tpu.memory_space<hbm>>
        %dma_start3A_186 = tpu.memref_slice %arg2[%dma_start3A_183, %add3A, %mul3A_182] : memref<2x32x786432xf32, #tpu.memory_space<hbm>> -> memref<1x1x32768xf32, #tpu.memory_space<hbm>>
        %dma_start3A_187 = tpu.memref_squeeze %dma_start3A_186 : memref<1x1x32768xf32, #tpu.memory_space<hbm>> -> memref<32768xf32, #tpu.memory_space<hbm>>
        tpu.enqueue_dma source(%dma_start3A_187 : memref<32768xf32, #tpu.memory_space<hbm>>) target(%arg5 : memref<32768xf32, #tpu.memory_space<vmem>>) target_semaphore(%arg11 : memref<!tpu.dma_semaphore, #tpu.memory_space<semaphore_mem>>)
      } else {
      }
      %ge3A_163 = arith.constant 3 : i32
      %ge3A_164 = arith.cmpi sge, %add3A_148, %ge3A_163 : i32
      %convert_element_type3A_165 = arith.extui %ge3A_164 : i1 to i32
      %cond3A_166 = arith.constant 0 : i32
      %cond3A_167 = arith.cmpi ne, %convert_element_type3A_165, %cond3A_166 : i32
      scf.if %cond3A_167 {
        %sub3A = arith.constant 3 : i32
        %sub3A_179 = arith.subi %add3A_148, %sub3A : i32
        %mul3A_180 = arith.constant 8192 : i32
        %mul3A_181 = arith.muli %sub3A_179, %mul3A_180 : i32
        %dma_wait3A_182 = arith.constant 1 : i32
        %dma_wait3A_183 = tpu.memref_slice %arg3[%dma_wait3A_182, %add3A, %mul3A_181] : memref<2x32x196608xf32, #tpu.memory_space<hbm>> -> memref<1x1x8192xf32, #tpu.memory_space<hbm>>
        %dma_wait3A_184 = tpu.memref_squeeze %dma_wait3A_183 : memref<1x1x8192xf32, #tpu.memory_space<hbm>> -> memref<8192xf32, #tpu.memory_space<hbm>>
        %dma_wait3A_185 = tpu.memref_slice %arg3[%dma_wait3A_182, %add3A, %mul3A_181] : memref<2x32x196608xf32, #tpu.memory_space<hbm>> -> memref<1x1x8192xf32, #tpu.memory_space<hbm>>
        %dma_wait3A_186 = tpu.memref_squeeze %dma_wait3A_185 : memref<1x1x8192xf32, #tpu.memory_space<hbm>> -> memref<8192xf32, #tpu.memory_space<hbm>>
        tpu.wait_dma2 semaphore(%arg15 : memref<!tpu.dma_semaphore, #tpu.memory_space<semaphore_mem>>) src(%arg9 : memref<8192xf32, #tpu.memory_space<vmem>>) dst(%dma_wait3A_186 : memref<8192xf32, #tpu.memory_space<hbm>>)
      } else {
      }
      %parallel_loop3A_168 = arith.constant 0 : i32
      %parallel_loop3A_169 = arith.constant 512 : i32
      %parallel_loop3A_170 = arith.constant 1 : i32
      %parallel_loop3A_171 = scf.for %parallel_loop3A_179 = %parallel_loop3A_168 to %parallel_loop3A_169 step %parallel_loop3A_170 iter_args(%parallel_loop3A_180 = %mul3A_3) -> (vector<16xi32>)  : i32 {
        %parallel_loop3A_181 = tpu.vector_load_idx %arg6[%parallel_loop3A_180] : memref<32768xf32, #tpu.memory_space<vmem>>[vector<16xi32>], vector<16xf32>,
        %parallel_loop3A_182 = arith.constant 1 : i32
        %parallel_loop3A_183 = vector.broadcast %parallel_loop3A_182 : i32 to vector<16xi32>
        %parallel_loop3A_184 = arith.addi %parallel_loop3A_180, %parallel_loop3A_183 : vector<16xi32>
        %parallel_loop3A_185 = tpu.vector_load_idx %arg6[%parallel_loop3A_184] : memref<32768xf32, #tpu.memory_space<vmem>>[vector<16xi32>], vector<16xf32>,
        %parallel_loop3A_186 = arith.constant 2 : i32
        %parallel_loop3A_187 = vector.broadcast %parallel_loop3A_186 : i32 to vector<16xi32>
        %parallel_loop3A_188 = arith.addi %parallel_loop3A_180, %parallel_loop3A_187 : vector<16xi32>
        %parallel_loop3A_189 = tpu.vector_load_idx %arg6[%parallel_loop3A_188] : memref<32768xf32, #tpu.memory_space<vmem>>[vector<16xi32>], vector<16xf32>,
        %parallel_loop3A_190 = arith.constant 3 : i32
        %parallel_loop3A_191 = vector.broadcast %parallel_loop3A_190 : i32 to vector<16xi32>
        %parallel_loop3A_192 = arith.addi %parallel_loop3A_180, %parallel_loop3A_191 : vector<16xi32>
        %parallel_loop3A_193 = tpu.vector_load_idx %arg6[%parallel_loop3A_192] : memref<32768xf32, #tpu.memory_space<vmem>>[vector<16xi32>], vector<16xf32>,
        %parallel_loop3A_194 = arith.maximumf %parallel_loop3A_181, %parallel_loop3A_185 : vector<16xf32>
        %parallel_loop3A_195 = arith.maximumf %parallel_loop3A_189, %parallel_loop3A_193 : vector<16xf32>
        %parallel_loop3A_196 = arith.maximumf %parallel_loop3A_194, %parallel_loop3A_195 : vector<16xf32>
        %parallel_loop3A_197 = arith.constant 16 : i32
        %parallel_loop3A_198 = arith.muli %parallel_loop3A_179, %parallel_loop3A_197 : i32
        %parallel_loop3A_199 = arith.index_cast %parallel_loop3A_198 : i32 to index
        %parallel_loop3A_200 = tpu.vector_load %arg9[%parallel_loop3A_199] {strides = array<i32>} : memref<8192xf32, #tpu.memory_space<vmem>>, vector<16xf32>,
        tpu.vector_store %arg9[%parallel_loop3A_199], %parallel_loop3A_196 {strides = array<i32>} : memref<8192xf32, #tpu.memory_space<vmem>>, vector<16xf32>,
        %parallel_loop3A_201 = arith.constant 64 : i32
        %parallel_loop3A_202 = vector.broadcast %parallel_loop3A_201 : i32 to vector<16xi32>
        %parallel_loop3A_203 = arith.addi %parallel_loop3A_180, %parallel_loop3A_202 : vector<16xi32>
        scf.yield %parallel_loop3A_203 : vector<16xi32>
      } {sc.loop_unroll_factor = 8 : i64, sc.parallel_access}
      %mul3A_172 = arith.constant 8192 : i32
      %mul3A_173 = arith.muli %add3A_148, %mul3A_172 : i32
      %dma_start3A_174 = arith.constant 1 : i32
      %dma_start3A_175 = tpu.memref_slice %arg3[%dma_start3A_174, %add3A, %mul3A_173] : memref<2x32x196608xf32, #tpu.memory_space<hbm>> -> memref<1x1x8192xf32, #tpu.memory_space<hbm>>
      %dma_start3A_176 = tpu.memref_squeeze %dma_start3A_175 : memref<1x1x8192xf32, #tpu.memory_space<hbm>> -> memref<8192xf32, #tpu.memory_space<hbm>>
      %dma_start3A_177 = tpu.memref_slice %arg3[%dma_start3A_174, %add3A, %mul3A_173] : memref<2x32x196608xf32, #tpu.memory_space<hbm>> -> memref<1x1x8192xf32, #tpu.memory_space<hbm>>
      %dma_start3A_178 = tpu.memref_squeeze %dma_start3A_177 : memref<1x1x8192xf32, #tpu.memory_space<hbm>> -> memref<8192xf32, #tpu.memory_space<hbm>>
      tpu.enqueue_dma source(%arg9 : memref<8192xf32, #tpu.memory_space<vmem>>) target(%dma_start3A_178 : memref<8192xf32, #tpu.memory_space<hbm>>) target_semaphore(%arg15 : memref<!tpu.dma_semaphore, #tpu.memory_space<semaphore_mem>>)
    }
    %scan3A_61 = arith.constant 8 : i32
    %dma_wait3A_62 = arith.constant 1 : i32
    %dma_wait3A_63 = arith.constant 172032 : i32
    %dma_wait3A_64 = tpu.memref_slice %arg3[%dma_wait3A_62, %add3A, %dma_wait3A_63] : memref<2x32x196608xf32, #tpu.memory_space<hbm>> -> memref<1x1x8192xf32, #tpu.memory_space<hbm>>
    %dma_wait3A_65 = tpu.memref_squeeze %dma_wait3A_64 : memref<1x1x8192xf32, #tpu.memory_space<hbm>> -> memref<8192xf32, #tpu.memory_space<hbm>>
    %dma_wait3A_66 = arith.constant 172032 : i32
    %dma_wait3A_67 = tpu.memref_slice %arg3[%dma_wait3A_62, %add3A, %dma_wait3A_66] : memref<2x32x196608xf32, #tpu.memory_space<hbm>> -> memref<1x1x8192xf32, #tpu.memory_space<hbm>>
    %dma_wait3A_68 = tpu.memref_squeeze %dma_wait3A_67 : memref<1x1x8192xf32, #tpu.memory_space<hbm>> -> memref<8192xf32, #tpu.memory_space<hbm>>
    tpu.wait_dma2 semaphore(%arg13 : memref<!tpu.dma_semaphore, #tpu.memory_space<semaphore_mem>>) src(%arg7 : memref<8192xf32, #tpu.memory_space<vmem>>) dst(%dma_wait3A_68 : memref<8192xf32, #tpu.memory_space<hbm>>)
    %dma_wait3A_69 = arith.constant 1 : i32
    %dma_wait3A_70 = arith.constant 180224 : i32
    %dma_wait3A_71 = tpu.memref_slice %arg3[%dma_wait3A_69, %add3A, %dma_wait3A_70] : memref<2x32x196608xf32, #tpu.memory_space<hbm>> -> memref<1x1x8192xf32, #tpu.memory_space<hbm>>
    %dma_wait3A_72 = tpu.memref_squeeze %dma_wait3A_71 : memref<1x1x8192xf32, #tpu.memory_space<hbm>> -> memref<8192xf32, #tpu.memory_space<hbm>>
    %dma_wait3A_73 = arith.constant 180224 : i32
    %dma_wait3A_74 = tpu.memref_slice %arg3[%dma_wait3A_69, %add3A, %dma_wait3A_73] : memref<2x32x196608xf32, #tpu.memory_space<hbm>> -> memref<1x1x8192xf32, #tpu.memory_space<hbm>>
    %dma_wait3A_75 = tpu.memref_squeeze %dma_wait3A_74 : memref<1x1x8192xf32, #tpu.memory_space<hbm>> -> memref<8192xf32, #tpu.memory_space<hbm>>
    tpu.wait_dma2 semaphore(%arg14 : memref<!tpu.dma_semaphore, #tpu.memory_space<semaphore_mem>>) src(%arg8 : memref<8192xf32, #tpu.memory_space<vmem>>) dst(%dma_wait3A_75 : memref<8192xf32, #tpu.memory_space<hbm>>)
    %dma_wait3A_76 = arith.constant 1 : i32
    %dma_wait3A_77 = arith.constant 188416 : i32
    %dma_wait3A_78 = tpu.memref_slice %arg3[%dma_wait3A_76, %add3A, %dma_wait3A_77] : memref<2x32x196608xf32, #tpu.memory_space<hbm>> -> memref<1x1x8192xf32, #tpu.memory_space<hbm>>
    %dma_wait3A_79 = tpu.memref_squeeze %dma_wait3A_78 : memref<1x1x8192xf32, #tpu.memory_space<hbm>> -> memref<8192xf32, #tpu.memory_space<hbm>>
    %dma_wait3A_80 = arith.constant 188416 : i32
    %dma_wait3A_81 = tpu.memref_slice %arg3[%dma_wait3A_76, %add3A, %dma_wait3A_80] : memref<2x32x196608xf32, #tpu.memory_space<hbm>> -> memref<1x1x8192xf32, #tpu.memory_space<hbm>>
    %dma_wait3A_82 = tpu.memref_squeeze %dma_wait3A_81 : memref<1x1x8192xf32, #tpu.memory_space<hbm>> -> memref<8192xf32, #tpu.memory_space<hbm>>
    tpu.wait_dma2 semaphore(%arg15 : memref<!tpu.dma_semaphore, #tpu.memory_space<semaphore_mem>>) src(%arg9 : memref<8192xf32, #tpu.memory_space<vmem>>) dst(%dma_wait3A_82 : memref<8192xf32, #tpu.memory_space<hbm>>)
    return
  }
}

</mosaic_0001>

<sc_bundles>
// kernel: kernel.3.cloned.1.call-start
scs
__scs_entry_jumppad:
0x0: {  	(pc) =	sbr.rel $0x88, $3  }
0x1: {  	(tag) =	ssettag $0x0;
	lr =	simm.s32 $0x1  }
0x2: {  	[smem:$0x3F9F] =	sst lr;
	_ =	strace $0xD0000000  }
0x3: {  	_ = 	snop  }
0x4: {  	_ = 	snop  }
0x5: {  	_ = 	snop  }
0x6: {  	_ = 	snop  }
0x7: {  	_ = 	snop  }
__scs_overlays_trampoline_lowered:
0x8: {  	[smem:$0x3FAE] =	sst s0  }
0x9: {  	[smem:$0x3FAF] =	sst s1  }
0xa: {  	[smem:$0x3FB0] =	sst s2  }
0xb: {  	[smem:$0x3FB1] =	sst s3  }
0xc: {  	[smem:$0x3FB2] =	sst s4  }
0xd: {  	[smem:$0x3FB3] =	sst s5  }
0xe: {  	[smem:$0x3FB4] =	sst s6  }
0xf: {  	[smem:$0x3FB5] =	sst s7  }
0x10: {  	[smem:$0x3FB6] =	sst s8  }
0x11: {  	[smem:$0x3FB7] =	sst s9;
	s0 =	simm.s32 @!p0 $0x0  }
0x12: {  	s1 =	sld [smem:$0x3F9D];
	s0 =	simm.s32 @p0 $0x1  }
0x13: {  	[smem:$0x3FB8] =	sst s0;
	s0 =	simm.s32 @!p1 $0x0  }
0x14: {  	s2 =	sld [smem:$0x3F9C];
	s0 =	simm.s32 @p1 $0x1  }
0x15: {  	[smem:$0x3FB9] =	sst s0;
	s0 =	simm.s32 @!p2 $0x0  }
0x16: {  	s3 =	sld [smem:$0x3FDB];
	s0 =	simm.s32 @p2 $0x1  }
0x17: {  	s4 =	simm.s32 $0x1BF5;
	[smem:$0x3FBB] =	sst s0  }
0x18: {  	s0 =	sld [smem:$0x3F9E];
	_ =	swait.ge [sflag:s4], $0x0  }
0x19: {  	s7 =	sld [smem:$0x3F9F]  }
0x1a: {  	s8 =	sadd.s32 $0xFFFFE003, lr  }
0x1b: {  	s9 =	sadd.s32 $0xFFFFFEF7, lr;
	s5 =	simm.s32 $0xFFFFFFFF;
	p2 =	slt.u32 s8, $0xFFFFF086  }
0x1c: {  	p1 =	slt.u32 s9, $0xF7A;
	s5 =	simm.s32 @!p2 $0x0  }
0x1d: {  	s5 =	simm.s32 @p1 $0x1;
	p0 =	seq.s32 s7, s2  }
0x1e: {  	s7 =	smul.u32 @!p0 $0xF7A, s2;
	p2 =	seq.s32 @!p0 s5, $0x0  }
0x1f: {  	s9 =	smul.u32 $0xF7A, s1;
	s8 =	simm.s32 @!p0 $0x1BF5;
	p2 =	por !p2, p0  }
0x20: {  	[sflag:s8] =	ssyncset.s32 @!p0 $0xFFFFF086;
	s6 =	sadd.s32 @!p0 s3, s7;
	s7 =	simm.s32 @!p0 $0x108  }
0x21: {  	s3 =	sadd.s32 s3, s9;
	s6 =	sadd.s32 @!p0 $0x88, s6;
	s7 =	simm.s32 @p2 $0x1082  }
0x22: {  	[simem:s7], [sflag:s8] =	dma.local @!p0 [hbm:s6], $0xF7A  }
0x23: {  	s9 =	sor.u32 $0xD0000000, s2;
	s6 =	simm.s32 $0x108;
	_ =	swait.ge @!p0 [sflag:s8], $0x0  }
0x24: {  	s3 =	sadd.s32 $0x88, s3;
	s6 =	simm.s32 @!p1 $0x1082;
	[sflag:s4] =	ssyncset.s32 $0xFFFFF086  }
0x25: {  	[simem:s6], [sflag:s4] =	dma.local [hbm:s3], $0xF7A  }
0x26: {  	[smem:$0x3F9F] =	sst s1;
	(tag) =	ssettag s2;
	_ =	strace s9  }
0x27: {  	s1 =	sld [smem:$0x3FAF]  }
0x28: {  	s2 =	sld [smem:$0x3FB0]  }
0x29: {  	s4 =	sld [smem:$0x3FB2]  }
0x2a: {  	p0 =	seq.s32 s5, $0x0;
	s5 =	sld [smem:$0x3FB3]  }
0x2b: {  	s6 =	sld [smem:$0x3FB4]  }
0x2c: {  	s7 =	sld [smem:$0x3FB5]  }
0x2d: {  	s3 =	simm.s32 $0x108;
	s8 =	sld [smem:$0x3FB6]  }
0x2e: {  	s3 =	simm.s32 @!p0 $0x1082;
	s9 =	sld [smem:$0x3FB7]  }
0x2f: {  	lr =	sadd.s32 s0, s3;
	s0 =	sld [smem:$0x3FAE]  }
0x30: {  	s3 =	sld [smem:$0x3FB1]  }
0x31: {  	[smem:$0x3FBA] =	sst s10  }
0x32: {  	s10 =	sld [smem:$0x3FB8];
	_ =	sdelay $0x3  }
0x33: {  	p0 =	seq.s32 s10, $0x1;
	s10 =	sld [smem:$0x3FBA];
	_ =	sdelay $0x3  }
0x34: {  	[smem:$0x3FBA] =	sst s10  }
0x35: {  	s10 =	sld [smem:$0x3FB9];
	_ =	sdelay $0x3  }
0x36: {  	p1 =	seq.s32 s10, $0x1;
	s10 =	sld [smem:$0x3FBA];
	_ =	sdelay $0x3  }
0x37: {  	[smem:$0x3FBA] =	sst s10  }
0x38: {  	s10 =	sld [smem:$0x3FBB]  }
0x39: {  	_ = 	snop;
	(pc) =	sbr.ind lr, $3  }
0x3a: {  	_ = 	snop  }
0x3b: {  	_ = 	snop  }
0x3c: {  	p2 =	seq.s32 s10, $0x1;
	s10 =	sld [smem:$0x3FBA]  }
0x3d: {  	_ =	shalt  }
0x3e: {  	_ =	shalt  }
0x3f: {  	_ =	shalt  }
0x40: {  	_ =	shalt  }
0x41: {  	_ =	shalt  }
0x42: {  	_ =	shalt  }
0x43: {  	_ =	shalt  }
0x44: {  	_ =	shalt  }
0x45: {  	_ =	shalt  }
0x46: {  	_ =	shalt  }
0x47: {  	_ =	shalt  }
0x48: {  	_ =	shalt  }
0x49: {  	_ =	shalt  }
0x4a: {  	_ =	shalt  }
0x4b: {  	_ =	shalt  }
0x4c: {  	_ =	shalt  }
0x4d: {  	_ =	shalt  }
0x4e: {  	_ =	shalt  }
0x4f: {  	_ =	shalt  }
0x50: {  	_ =	shalt  }
0x51: {  	_ =	shalt  }
0x52: {  	_ =	shalt  }
0x53: {  	_ =	shalt  }
0x54: {  	_ =	shalt  }
0x55: {  	_ =	shalt  }
0x56: {  	_ =	shalt  }
0x57: {  	_ =	shalt  }
0x58: {  	_ =	shalt  }
0x59: {  	_ =	shalt  }
0x5a: {  	_ =	shalt  }
0x5b: {  	_ =	shalt  }
0x5c: {  	_ =	shalt  }
0x5d: {  	_ =	shalt  }
0x5e: {  	_ =	shalt  }
0x5f: {  	_ =	shalt  }
0x60: {  	_ =	shalt  }
0x61: {  	_ =	shalt  }
0x62: {  	_ =	shalt  }
0x63: {  	_ =	shalt  }
0x64: {  	_ =	shalt  }
0x65: {  	_ =	shalt  }
0x66: {  	_ =	shalt  }
0x67: {  	_ =	shalt  }
0x68: {  	_ =	shalt  }
0x69: {  	_ =	shalt  }
0x6a: {  	_ =	shalt  }
0x6b: {  	_ =	shalt  }
0x6c: {  	_ =	shalt  }
0x6d: {  	_ =	shalt  }
0x6e: {  	_ =	shalt  }
0x6f: {  	_ =	shalt  }
0x70: {  	_ =	shalt  }
0x71: {  	_ =	shalt  }
0x72: {  	_ =	shalt  }
0x73: {  	_ =	shalt  }
0x74: {  	_ =	shalt  }
0x75: {  	_ =	shalt  }
0x76: {  	_ =	shalt  }
0x77: {  	_ =	shalt  }
0x78: {  	_ =	shalt  }
0x79: {  	_ =	shalt  }
0x7a: {  	_ =	shalt  }
0x7b: {  	_ =	shalt  }
0x7c: {  	_ =	shalt  }
0x7d: {  	_ =	shalt  }
0x7e: {  	_ =	shalt  }
0x7f: {  	_ =	shalt  }
0x80: {  	_ =	shalt  }
0x81: {  	_ =	shalt  }
0x82: {  	_ =	shalt  }
0x83: {  	_ =	shalt  }
0x84: {  	_ =	shalt  }
0x85: {  	_ =	shalt  }
0x86: {  	_ =	shalt  }
0x87: {  	_ =	shalt  }
.Lfunc_end0:
.L_simem_size_0:
called_computation_lowered:
.L_overlay_start_0:
0x88: {  	s2 =	sld [smem:$0x3FD9]  }
0x89: {  	s3 =	sld [smem:$0x3FFE];
	_ =	sdelay $0x1  }
0x8a: {  	s1 =	srdreg.scid  }
0x8b: {  	s0 =	sand.u32 $0x1, s1  }
0x8c: {  	s15 =	sshll.u32 s0, $0xA;
	s2 =	sadd.s32 s3, s2  }
0x8d: {  	s2 =	sadd.s32 s2, s15  }
0x8e: {  	[smem:$0x3FC6] =	sst s2  }
0x8f: {  	_ = 	snop  }
0x90: {  	s2 =	sld [smem:$0x3FD0];
	_ =	sdelay $0x2  }
0x91: {  	s4 =	simm.s32 $0xA;
	s5 =	simm.s32 $0x10;
	s16 =	sld [smem:$0x3FC9]  }
0x92: {  	[smem:s5], [sflag:s4] =	dma.local [hbm:s2], $0x1  }
0x93: {  	_ =	swait.eq [sflag:s4], $0x1  }
0x94: {  	[sflag:s4] =	ssyncset.done $0x0  }
0x95: {  	[sflag:s4] =	ssyncadd.s32 $0xFFFFFFFF  }
0x96: {  	s17 =	sld [smem:$0x10];
	(tm) =	ssettm $0x1  }
0x97: {  	s18 =	sld [smem:$0x3FFB];
	_ =	sdelay $0x3  }
0x98: {  	_ =	strace s18  }
0x99: {  	s4 =	sld [smem:$0x3FFC];
	_ =	sdelay $0x3  }
0x9a: {  	_ =	strace s4  }
0x9b: {  	s4 =	sld [smem:$0x3FFD];
	_ =	sdelay $0x3  }
0x9c: {  	_ =	strace s4  }
0x9d: {  	_ =	strace $0x8FFFFFFF  }
0x9e: {  	s19 =	sld [smem:$0x3FDB];
	_ =	sdelay $0x1  }
0x9f: {  	s20 =	simm.s32 $_scs_section_size  }
0xa0: {  	s6 =	simm.s32 $_size__tile_overlayer_lowered;
	s7 =	simm.s32 $_tile_overlayer_lowered  }
0xa1: {  	s23 =	simm.s32 $0x1BFF;
	s22 =	sshll.u32 s7, $0x1;
	s4 =	sadd.s32 s20, s19  }
0xa2: {  	s8 =	simm.s32 $0x0;
	s21 =	sshll.u32 s6, $0x1;
	s6 =	sadd.s32 s22, s4  }
0xa3: {  	[timem:s8], [sflag:s23] =	dma.local [hbm:s6], s21  }
0xa4: {  	_ =	swait.ge [sflag:s23], s21  }
0xa5: {  	s5 =	ssub.s32 $0x0, s21;
	[sflag:s23] =	ssyncset.done $0x0  }
0xa6: {  	[sflag:s23] =	ssyncadd.s32 s5;
	_ =	sdelay $0x1  }
0xa7: {  	s24 =	simm.s32 $0x1B8B  }
0xa8: {  	_ =	swait.ge [sflag:s24], $0x1  }
0xa9: {  	[sflag:s24] =	ssyncset.done $0x0  }
0xaa: {  	s25 =	simm.s32 $0x1B8E;
	[sflag:s24] =	ssyncadd.s32 $0xFFFFFFFF  }
0xab: {  	s26 =	simm.s32 $execute0_lowered;
	[smem:$0x3FD2] =	sst s25  }
0xac: {  	s5 =	sshll.u32 s26, $0x1;
	_ =	strace $0x80000046;
	[dreg:$0x1] =	wrdreg $0xFFFFFFFF  }
0xad: {  	s28 =	simm.s32 $_size_execute0_lowered;
	s4 =	sadd.s32 s4, s5;
	[dreg:$0x0] =	wrdreg $0x0  }
0xae: {  	s5 =	sshll.u32 s28, $0x1;
	[dreg:$0x2] =	wrdreg s4  }
0xaf: {  	[dreg:$0x3] =	wrdreg s5  }
0xb0: {  	[dreg:$0x4] =	wrdreg $0xC0  }
0xb1: {  	_ =	task [dreg:s8], $0x5FFFF  }
0xb2: {  	[dreg:$0x1] =	wrdreg $0xFFFFFFFF  }
0xb3: {  	[dreg:$0x0] =	wrdreg $0x60  }
0xb4: {  	[dreg:$0x2] =	wrdreg s16  }
0xb5: {  	[dreg:$0x3] =	wrdreg s17  }
0xb6: {  	[dreg:$0x4] =	wrdreg $0x9  }
0xb7: {  	_ =	task.clear_ibuf [dreg:s8], $0x5FFFF;
	_ =	strace $0x90000046  }
0xb8: {  	s29 =	simm.s32 $0x9;
	_ =	strace $0x80000048  }
0xb9: {  	_ =	swait.ge [sflag:s29], $0x1  }
0xba: {  	[sflag:s29] =	ssyncadd.s32 $0xFFFFFFFF  }
0xbb: {  	_ =	strace $0x90000048  }
0xbc: {  	_ =	sfence  }
0xbd: {  	s30 =	sld [smem:$0x0];
	_ =	sdelay $0x2  }
0xbe: {  	s31 =	sshll.u32 s1, $0xD;
	s1 =	sshrl.u32 s1, $0x2  }
0xbf: {  	s3 =	sand.u32 $0x4000, s31;
	s1 =	sadd.s32 s1, s30  }
0xc0: {  	s0 =	sor.u32 s3, s0;
	s1 =	sshll.u32 s1, $0x11  }
0xc1: {  	s0 =	sor.u32 s1, s0  }
0xc2: {  	s0 =	sadd.s32 $0x8F2B, s0  }
0xc3: {  	[sflag:s0] =	ssyncadd.remote.s32 $0x1  }
0xc4: {  	_ =	sfence.sel $0xFFFF  }
0xc5: {  	[dreg:$0x0] =	wrdreg $0xFFFFFFFF;
	(pc) =	sbr.abs _section_cstart, $3  }
0xc6: {  	[dreg:$0x1] =	wrdreg $0xFFFFFFFF  }
0xc7: {  	_ =	task.clear_ibuf [dreg:s8], $0x2FFFF;
	_ =	strace $0x9FFFFFFF  }
0xc8: {  	(tm) =	ssettm $0x7FFFFFFF  }
0xc9: {  	_ =	shalt  }
tec
execute0_lowered:
.L_overlay_start_1:
0x0: {  	(tag) =	ssettag $0x1  }
0x1: {  	s1 =	rddreg [dreg:$0x0]  }
0x2: {  	s2 =	rddreg [dreg:$0x1];
	s0 =	srdreg.scid  }
0x3: {  	s4 =	stileid.u32;
	s20 =	simm.s32 $0x80;
	s21 =	simm.s32 $0x400  }
0x4: {  	s22 =	simm.s32 $0x8000;
	s28 =	simm.s32 $0x1A000;
	s29 =	simm.s32 $0x3  }
0x5: {  	s30 =	simm.s32 $0x1C000;
	s0 =	sand.u32 $0x1, s0;
	s3 =	sshrl.u32 s4, $0x2  }
0x6: {  	s4 =	sshll.u32 s4, $0x8;
	s5 =	smul.u32 $0x600000, s3;
	s6 =	sshll.u32 s0, $0x7  }
0x7: {  	s7 =	sand.u32 $0x300, s4;
	s4 =	simm.s32 $0x0;
	s0 =	ssub.s32 $0x2, s0  }
0x8: {  	s3 =	smul.u32 $0x180000, s3;
	s6 =	sor.u32 s6, s7;
	[smem:$0x7FF] =	sst s4  }
0x9: {  	s8 =	sshrl.u32 s0, $0x1;
	s5 =	sor.u32 s5, s6;
	_ =	strace $0x80000047  }
0xa: {  	s0 =	ssub.s32 s0, s8;
	s24 =	sor.u32 $0x10000, s6;
	s8 =	sor.u32 s6, s3  }
0xb: {  	s23 =	sshrl.u32 s5, $0x3;
	s9 =	sor.u32 $0xC0000, s5;
	s25 =	sor.u32 s24, s3  }
0xc: {  	s11 =	sor.u32 $0x100000, s5;
	s12 =	sadd.s32 $0x1800000, s5;
	s13 =	sadd.s32 $0x1840000, s5  }
0xd: {  	s3 =	sadd.s32 $0x600000, s3;
	s16 =	sadd.s32 $0x18C0000, s5;
	s10 =	smov.u32 s5  }
0xe: {  	s18 =	sadd.s32 $0x1900000, s5;
	s0 =	smax.u32 s0, $0x1;
	[dreg:$0x5] =	wrdreg s9  }
0xf: {  	s7 =	sadd.s32 s1, s23;
	[dreg:$0x6] =	wrdreg s25;
	s14 =	sshrl.u32 s12, $0x3  }
0x10: {  	s13 =	sshrl.u32 s13, $0x3;
	s15 =	sor.u32 s6, s3;
	s17 =	sor.u32 s24, s3  }
0x11: {  	[dreg:$0x9] =	wrdreg s0;
	s23 =	simm.s32 $0x1;
	s24 =	simm.s32 $0x10000  }
0x12: {  	s25 =	simm.s32 $0x18000;
	[dreg:$0x3] =	wrdreg s7;
	s7 =	sadd.s32 $0x8000, s7  }
0x13: {  	s3 =	simm.s32 $0x5;
	s26 =	sadd.s32 s1, s14;
	[dreg:$0x4] =	wrdreg s7  }
0x14: {  	v0 =	vlaneseq.u32;
	s0 =	simm.s32 $0x6;
	s31 =	sadd.s32 s1, s13;
	[dreg:$0x7] =	wrdreg s26  }
0x15: {  	v0 =	vmul.u32 $0x4, v0;
	s6 =	simm.s32 $0x0;
	[dreg:$0x8] =	wrdreg s31;
	s26 =	simm.s32 $0x2  }
.LBB2_1:
0x16: {  	[dreg:$0xa] =	wrdreg s6  }
0x17: {  	s5 =	rddreg [dreg:$0x3]  }
0x18: {  	[tilespmem:s4], [sflag:$0x1] =	stream.strided.gather [hbm4b:s5+s20], $0x8000, s21, s20, $0x38;
	[tilespmem:$0x1E000] =	vst v63  }
0x19: {  	s31 =	rddreg [dreg:$0x4];
	s13 =	simm.s32 $0x0  }
0x1a: {  	[tilespmem:s22], [sflag:$0x2] =	stream.strided.gather [hbm4b:s31+s20], $0x8000, s21, s20, $0x38;
	[tilespmem:$0x1E000] =	vst v63  }
.LBB2_2:
0x1b: {  	s6 =	smul.u32 $0x3, s13;
	_ =	sdelay $0x1  }
0x1c: {  	s14 =	sadd.s32 $0x2, s6  }
0x1d: {  	s6 =	sshll.u32 s14, $0x12  }
0x1e: {  	_ =	swait.ge [sflag:s23], $0x8000;
	s6 =	sadd.s32 s10, s6  }
0x1f: {  	[sflag:s23] =	ssyncset.done $0x0;
	s6 =	sshrl.u32 s6, $0x3  }
0x20: {  	p0 =	seq.s32 s13, $0x0;
	[sflag:s23] =	ssyncadd.s32 $0xFFFF8000;
	s6 =	sadd.s32 s1, s6  }
0x21: {  	[tilespmem:s24], [sflag:$0x3] =	stream.strided.gather [hbm4b:s6+s20], $0x8000, s21, s20, $0x38;
	[tilespmem:$0x1E000] =	vst v63  }
0x22: {  	v1 =	vadd.s32 $0x1C0, v0;
	s6 =	simm.s32 @!p0 $0x4  }
0x23: {  	v2 =	vadd.s32 $0x1C1, v0;
	_ =	swait.ge @!p0 [sflag:s6], $0x2000  }
0x24: {  	v3 =	vadd.s32 $0x1C2, v0;
	[sflag:s6] =	ssyncset.done @!p0 $0x0  }
0x25: {  	v4 =	vadd.s32 $0x1C3, v0;
	[sflag:s6] =	ssyncadd.s32 @!p0 $0xFFFFE000  }
0x26: {  	v5 =	vor.u32 $0x1, v0;
	v25 =	vld.idx.msk [tilespmem:v0+s4+$0x0], $0xffff;
	[tilespmem:$0x1FF80] =	vst v1  }
0x27: {  	v6 =	vor.u32 $0x2, v0;
	v24 =	vld.idx.msk [tilespmem:v1+s4+$0x0], $0xffff;
	[tilespmem:$0x1FF90] =	vst v2  }
0x28: {  	v1 =	vor.u32 $0x3, v0;
	v26 =	vld.idx.msk [tilespmem:v2+s4+$0x0], $0xffff;
	[tilespmem:$0x1FFA0] =	vst v3  }
0x29: {  	v2 =	vadd.s32 $0x40, v0;
	v27 =	vld.idx.msk [tilespmem:v3+s4+$0x0], $0xffff;
	[tilespmem:$0x1FFB0] =	vst v4  }
0x2a: {  	v9 =	vadd.s32 $0x41, v0;
	v28 =	vld.idx.msk [tilespmem:v4+s4+$0x0], $0xffff;
	[tilespmem:$0x1FFC0] =	vst v5  }
0x2b: {  	v10 =	vadd.s32 $0x42, v0;
	v29 =	vld.idx.msk [tilespmem:v5+s4+$0x0], $0xffff;
	[tilespmem:$0x1FFD0] =	vst v6  }
0x2c: {  	v11 =	vadd.s32 $0x43, v0;
	v30 =	vld.idx.msk [tilespmem:v6+s4+$0x0], $0xffff;
	[tilespmem:$0x1FFE0] =	vst v1  }
0x2d: {  	v12 =	vadd.s32 $0x80, v0;
	v31 =	vld.idx.msk [tilespmem:v1+s4+$0x0], $0xffff;
	[tilespmem:$0x1FFF0] =	vst v2  }
0x2e: {  	v13 =	vadd.s32 $0x81, v0;
	v32 =	vld.idx.msk [tilespmem:v2+s4+$0x0], $0xffff  }
0x2f: {  	v14 =	vadd.s32 $0x82, v0;
	v33 =	vld.idx.msk [tilespmem:v9+s4+$0x0], $0xffff  }
0x30: {  	v15 =	vadd.s32 $0x83, v0;
	v34 =	vld.idx.msk [tilespmem:v10+s4+$0x0], $0xffff  }
0x31: {  	v16 =	vadd.s32 $0xC0, v0;
	v35 =	vld.idx.msk [tilespmem:v11+s4+$0x0], $0xffff  }
0x32: {  	v17 =	vadd.s32 $0xC1, v0;
	v36 =	vld.idx.msk [tilespmem:v12+s4+$0x0], $0xffff  }
0x33: {  	v18 =	vadd.s32 $0xC2, v0;
	v37 =	vld.idx.msk [tilespmem:v13+s4+$0x0], $0xffff  }
0x34: {  	v20 =	vadd.s32 $0x100, v0;
	v38 =	vld.idx.msk [tilespmem:v14+s4+$0x0], $0xffff  }
0x35: {  	v19 =	vadd.s32 $0xC3, v0;
	v39 =	vld.idx.msk [tilespmem:v15+s4+$0x0], $0xffff  }
0x36: {  	v21 =	vadd.s32 $0x101, v0;
	v40 =	vld.idx.msk [tilespmem:v16+s4+$0x0], $0xffff  }
0x37: {  	v22 =	vadd.s32 $0x102, v0;
	v41 =	vld.idx.msk [tilespmem:v17+s4+$0x0], $0xffff  }
0x38: {  	v23 =	vadd.s32 $0x103, v0;
	v42 =	vld.idx.msk [tilespmem:v18+s4+$0x0], $0xffff  }
0x39: {  	v26 =	vmax.f32 v24, v26;
	v24 =	vadd.s32 $0x140, v0;
	v43 =	vld.idx.msk [tilespmem:v20+s4+$0x0], $0xffff;
	v27 =	vmax.f32 v27, v28  }
0x3a: {  	s6 =	simm.s32 $0x18040;
	v28 =	vld.idx.msk [tilespmem:v19+s4+$0x0], $0xffff;
	v29 =	vmax.f32 v25, v29;
	v25 =	vadd.s32 $0x141, v0;
	v27 =	vmax.f32 v26, v27  }
0x3b: {  	v44 =	vld.idx.msk [tilespmem:v21+s4+$0x0], $0xffff;
	v26 =	vadd.s32 $0x142, v0;
	[tilespmem:s6+$0x30] =	vst v27;
	v27 =	vadd.s32 $0x143, v0;
	v30 =	vmax.f32 v30, v31  }
0x3c: {  	v29 =	vmax.f32 v29, v30;
	v30 =	vmax.f32 v32, v33;
	v31 =	vmax.f32 v34, v35;
	v33 =	vld.idx.msk [tilespmem:v22+s4+$0x0], $0xffff  }
0x3d: {  	v34 =	vld.idx.msk [tilespmem:v23+s4+$0x0], $0xffff;
	v63 =	vmax.f32 v40, v41;
	[tilespmem:s6+$0xFFFFFFC0] =	vst v29;
	v30 =	vmax.f32 v30, v31;
	v29 =	vadd.s32 $0x180, v0  }
0x3e: {  	v35 =	vld.idx.msk [tilespmem:v24+s4+$0x0], $0xffff;
	v32 =	vadd.s32 $0x181, v0;
	v31 =	vmax.f32 v38, v39;
	[tilespmem:s6+$0xFFFFFFD0] =	vst v30;
	v30 =	vmax.f32 v36, v37  }
0x3f: {  	v28 =	vmax.f32 v42, v28;
	v36 =	vld.idx.msk [tilespmem:v25+s4+$0x0], $0xffff;
	v31 =	vmax.f32 v30, v31;
	v30 =	vadd.s32 $0x182, v0  }
0x40: {  	v28 =	vmax.f32 v63, v28;
	v37 =	vld.idx.msk [tilespmem:v26+s4+$0x0], $0xffff;
	[tilespmem:s6+$0xFFFFFFE0] =	vst v31;
	v31 =	vadd.s32 $0x183, v0  }
0x41: {  	s19 =	simm.s32 $0x0;
	v38 =	vmax.f32 v43, v44;
	[tilespmem:s6+$0xFFFFFFF0] =	vst v28;
	v39 =	vld.idx.msk [tilespmem:v27+s4+$0x0], $0xffff;
	v28 =	vadd.s32 $0x200, v0  }
.LBB2_3:
0x42: {  	v40 =	vor.u32 $0x1, v28;
	v41 =	vor.u32 $0x2, v28;
	v42 =	vadd.s32 $0x1C0, v28;
	v43 =	vld.idx.msk [tilespmem:v29+s4+$0x0], $0xffff  }
0x43: {  	v44 =	vor.u32 $0x3, v28;
	v45 =	vadd.s32 $0x40, v28;
	v29 =	vadd.s32 $0x1C1, v28;
	v46 =	vld.idx.msk [tilespmem:v32+s4+$0x0], $0xffff  }
0x44: {  	v47 =	vadd.s32 $0x41, v28;
	v48 =	vadd.s32 $0x42, v28;
	v32 =	vadd.s32 $0x1C2, v28;
	v49 =	vld.idx.msk [tilespmem:v30+s4+$0x0], $0xffff  }
0x45: {  	v50 =	vadd.s32 $0x43, v28;
	v51 =	vadd.s32 $0x80, v28;
	s19 =	sadd.s32 $0x8, s19;
	v30 =	vadd.s32 $0x1C3, v28;
	v52 =	vld.idx.msk [tilespmem:v31+s4+$0x0], $0xffff  }
0x46: {  	v54 =	vadd.s32 $0x81, v28;
	v55 =	vadd.s32 $0x82, v28;
	v56 =	vadd.s32 $0x83, v28;
	p0 =	slt.u32 s19, $0x1F8;
	v53 =	vld.idx.msk [tilespmem:v28+s4+$0x0], $0xffff  }
0x47: {  	v57 =	vadd.s32 $0xC0, v28;
	v58 =	vadd.s32 $0xC1, v28;
	v59 =	vadd.s32 $0xC2, v28;
	v42 =	vld.idx.msk [tilespmem:v42+s4+$0x0], $0xffff  }
0x48: {  	v60 =	vadd.s32 $0xC3, v28;
	v61 =	vadd.s32 $0x100, v28;
	v62 =	vadd.s32 $0x101, v28;
	v63 =	vld.idx.msk [tilespmem:v29+s4+$0x0], $0xffff  }
0x49: {  	v1 =	vadd.s32 $0x102, v28;
	v2 =	vadd.s32 $0x103, v28;
	v3 =	vadd.s32 $0x140, v28;
	v4 =	vld.idx.msk [tilespmem:v32+s4+$0x0], $0xffff  }
0x4a: {  	v5 =	vadd.s32 $0x141, v28;
	v6 =	vadd.s32 $0x142, v28;
	v7 =	vadd.s32 $0x143, v28;
	v8 =	vld.idx.msk [tilespmem:v30+s4+$0x0], $0xffff  }
0x4b: {  	v29 =	vadd.s32 $0x180, v28;
	v32 =	vadd.s32 $0x181, v28;
	v30 =	vadd.s32 $0x182, v28;
	v40 =	vld.idx.msk [tilespmem:v40+s4+$0x0], $0xffff  }
0x4c: {  	v33 =	vmax.f32 v33, v34;
	v34 =	vmax.f32 v35, v36;
	v31 =	vadd.s32 $0x183, v28;
	v41 =	vld.idx.msk [tilespmem:v41+s4+$0x0], $0xffff  }
0x4d: {  	v36 =	vmax.f32 v37, v39;
	v37 =	vmax.f32 v43, v46;
	v39 =	vmax.f32 v49, v52;
	v35 =	vld.idx.msk [tilespmem:v44+s4+$0x0], $0xffff  }
0x4e: {  	v33 =	vmax.f32 v38, v33;
	v34 =	vmax.f32 v34, v36;
	v36 =	vmax.f32 v37, v39;
	v43 =	vld.idx.msk [tilespmem:v45+s4+$0x0], $0xffff  }
0x4f: {  	v37 =	vld.idx.msk [tilespmem:v47+s4+$0x0], $0xffff;
	[tilespmem:s6+$0x0] =	vst v33  }
0x50: {  	v38 =	vmax.f32 v42, v63;
	v4 =	vmax.f32 v4, v8;
	v33 =	vld.idx.msk [tilespmem:v48+s4+$0x0], $0xffff;
	[tilespmem:s6+$0x10] =	vst v34  }
0x51: {  	v8 =	vmax.f32 v53, v40;
	v4 =	vmax.f32 v38, v4;
	v34 =	vld.idx.msk [tilespmem:v50+s4+$0x0], $0xffff;
	[tilespmem:s6+$0x20] =	vst v36;
	s6 =	sadd.s32 $0x80, s6  }
0x52: {  	v36 =	vld.idx.msk [tilespmem:v51+s4+$0x0], $0xffff;
	[tilespmem:s6+$0x30] =	vst v4  }
0x53: {  	v4 =	vmax.f32 v41, v35;
	v35 =	vld.idx.msk [tilespmem:v54+s4+$0x0], $0xffff  }
0x54: {  	v4 =	vmax.f32 v8, v4;
	v8 =	vld.idx.msk [tilespmem:v55+s4+$0x0], $0xffff  }
0x55: {  	[tilespmem:s6+$0xFFFFFFC0] =	vst v4;
	v4 =	vmax.f32 v43, v37;
	v37 =	vld.idx.msk [tilespmem:v56+s4+$0x0], $0xffff  }
0x56: {  	v38 =	vld.idx.msk [tilespmem:v57+s4+$0x0], $0xffff  }
0x57: {  	v33 =	vmax.f32 v33, v34;
	v34 =	vld.idx.msk [tilespmem:v58+s4+$0x0], $0xffff  }
0x58: {  	v4 =	vmax.f32 v4, v33;
	v39 =	vld.idx.msk [tilespmem:v59+s4+$0x0], $0xffff  }
0x59: {  	[tilespmem:s6+$0xFFFFFFD0] =	vst v4;
	v4 =	vmax.f32 v36, v35;
	v36 =	vld.idx.msk [tilespmem:v60+s4+$0x0], $0xffff  }
0x5a: {  	v40 =	vld.idx.msk [tilespmem:v61+s4+$0x0], $0xffff  }
0x5b: {  	v8 =	vmax.f32 v8, v37;
	v41 =	vld.idx.msk [tilespmem:v62+s4+$0x0], $0xffff  }
0x5c: {  	v4 =	vmax.f32 v4, v8;
	v33 =	vld.idx.msk [tilespmem:v1+s4+$0x0], $0xffff  }
.Ltmp0:
0x5d: {  	v1 =	vmax.f32 v38, v34;
	[tilespmem:s6+$0xFFFFFFE0] =	vst v4;
	v34 =	vld.idx.msk [tilespmem:v2+s4+$0x0], $0xffff;
	(pc) =	sbr.rel @p0 .LBB2_3-.Ltmp0, $4  }
0x5e: {  	v35 =	vld.idx.msk [tilespmem:v3+s4+$0x0], $0xffff  }
0x5f: {  	v2 =	vmax.f32 v39, v36;
	v36 =	vld.idx.msk [tilespmem:v5+s4+$0x0], $0xffff  }
0x60: {  	v1 =	vmax.f32 v1, v2;
	v37 =	vld.idx.msk [tilespmem:v6+s4+$0x0], $0xffff  }
0x61: {  	v28 =	vadd.s32 $0x200, v28;
	v38 =	vmax.f32 v40, v41;
	[tilespmem:s6+$0xFFFFFFF0] =	vst v1;
	v39 =	vld.idx.msk [tilespmem:v7+s4+$0x0], $0xffff  }
0x62: {  	_ =	sdelay $0x3  }
0x63: {  	v1 =	vld.idx.msk [tilespmem:v29+s4+$0x0], $0xffff  }
0x64: {  	v2 =	vld.idx.msk [tilespmem:v32+s4+$0x0], $0xffff  }
0x65: {  	v3 =	vld.idx.msk [tilespmem:v30+s4+$0x0], $0xffff  }
0x66: {  	v4 =	vld.idx.msk [tilespmem:v31+s4+$0x0], $0xffff;
	_ =	sdelay $0x2  }
0x67: {  	v5 =	vmax.f32 v33, v34;
	s19 =	smul.u32 $0x30000, s13  }
0x68: {  	v5 =	vmax.f32 v38, v5;
	v6 =	vmax.f32 v35, v36;
	v7 =	vmax.f32 v37, v39  }
0x69: {  	[tilespmem:s6+$0x0] =	vst v5;
	s7 =	sadd.s32 s8, s19;
	v1 =	vmax.f32 v1, v2;
	v2 =	vmax.f32 v3, v4;
	v3 =	vmax.f32 v6, v7  }
0x6a: {  	s7 =	sshrl.u32 s7, $0x3;
	v1 =	vmax.f32 v1, v2;
	[tilespmem:s6+$0x10] =	vst v3  }
0x6b: {  	p0 =	seq.s32 s13, $0x7;
	s7 =	sadd.s32 s2, s7;
	[tilespmem:s6+$0x20] =	vst v1  }
0x6c: {  	[hbm4b:s7+s20] =	stream.strided.scatter [tilespmem:s25], [sflag:$0x4], $0x2000, s21, s20, $0x38;
	[tilespmem:$0x1E000] =	vst v63  }
0x6d: {  	s6 =	smul.u32 @!p0 $0xC0000, s13;
	_ =	swait.ge [sflag:s26], $0x8000  }
0x6e: {  	p1 =	seq.s32 @!p0 s13, $0x0;
	s5 =	rddreg [dreg:$0x5]  }
0x6f: {  	s31 =	simm.s32 @!p0 $0x80;
	s9 =	simm.s32 @!p0 $0x0;
	s7 =	sadd.s32 @!p0 s6, s5  }
0x70: {  	p1 =	por p0, !p1;
	[sflag:s26] =	ssyncset.done $0x0;
	s7 =	sshrl.u32 @!p0 s7, $0x3  }
0x71: {  	[sflag:s26] =	ssyncadd.s32 $0xFFFF8000;
	s5 =	simm.s32 @!p0 $0x400;
	s7 =	sadd.s32 @!p0 s1, s7  }
0x72: {  	[tilespmem:s9], [sflag:$0x1] =	stream.strided.gather @!p0 [hbm4b:s7+s31], $0x8000, s5, s31, $0x38;
	[tilespmem:$0x1E000] =	vst v63  }
0x73: {  	_ =	swait.ge @p1 [sflag:s3], $0x2000  }
0x74: {  	v2 =	vld [tilespmem:$0x1FF80]  }
0x75: {  	v3 =	vld [tilespmem:$0x1FF90]  }
0x76: {  	v51 =	vld [tilespmem:$0x1FFA0]  }
0x77: {  	v52 =	vld [tilespmem:$0x1FFB0]  }
0x78: {  	v53 =	vld [tilespmem:$0x1FFC0]  }
0x79: {  	v54 =	vld [tilespmem:$0x1FFD0]  }
0x7a: {  	[sflag:s3] =	ssyncset.done @p1 $0x0;
	v8 =	vld [tilespmem:$0x1FFE0]  }
0x7b: {  	v28 =	vld [tilespmem:$0x1FFF0];
	[sflag:s3] =	ssyncadd.s32 @p1 $0xFFFFE000  }
0x7c: {  	v1 =	vld.idx.msk [tilespmem:v0+s22+$0x0], $0xffff  }
0x7d: {  	v29 =	vld.idx.msk [tilespmem:v9+s22+$0x0], $0xffff  }
0x7e: {  	v30 =	vld.idx.msk [tilespmem:v10+s22+$0x0], $0xffff  }
0x7f: {  	v31 =	vld.idx.msk [tilespmem:v11+s22+$0x0], $0xffff  }
0x80: {  	v55 =	vld.idx.msk [tilespmem:v12+s22+$0x0], $0xffff  }
0x81: {  	v56 =	vld.idx.msk [tilespmem:v13+s22+$0x0], $0xffff  }
0x82: {  	v57 =	vld.idx.msk [tilespmem:v14+s22+$0x0], $0xffff  }
0x83: {  	v58 =	vld.idx.msk [tilespmem:v15+s22+$0x0], $0xffff  }
0x84: {  	v59 =	vld.idx.msk [tilespmem:v16+s22+$0x0], $0xffff  }
0x85: {  	v60 =	vld.idx.msk [tilespmem:v17+s22+$0x0], $0xffff  }
0x86: {  	v2 =	vld.idx.msk [tilespmem:v2+s22+$0x0], $0xffff  }
0x87: {  	v3 =	vld.idx.msk [tilespmem:v3+s22+$0x0], $0xffff  }
0x88: {  	v4 =	vld.idx.msk [tilespmem:v51+s22+$0x0], $0xffff  }
0x89: {  	v5 =	vld.idx.msk [tilespmem:v52+s22+$0x0], $0xffff  }
0x8a: {  	v6 =	vld.idx.msk [tilespmem:v53+s22+$0x0], $0xffff  }
0x8b: {  	v7 =	vld.idx.msk [tilespmem:v54+s22+$0x0], $0xffff  }
0x8c: {  	v8 =	vld.idx.msk [tilespmem:v8+s22+$0x0], $0xffff  }
0x8d: {  	v28 =	vld.idx.msk [tilespmem:v28+s22+$0x0], $0xffff  }
0x8e: {  	v40 =	vld.idx.msk [tilespmem:v18+s22+$0x0], $0xffff  }
0x8f: {  	v61 =	vld.idx.msk [tilespmem:v19+s22+$0x0], $0xffff;
	v2 =	vmax.f32 v2, v3;
	v3 =	vmax.f32 v4, v5  }
0x90: {  	s31 =	simm.s32 $0x1A040;
	v62 =	vld.idx.msk [tilespmem:v21+s22+$0x0], $0xffff;
	v2 =	vmax.f32 v2, v3  }
0x91: {  	v33 =	vld.idx.msk [tilespmem:v22+s22+$0x0], $0xffff;
	v1 =	vmax.f32 v1, v6;
	[tilespmem:s31+$0x30] =	vst v2;
	v2 =	vmax.f32 v7, v8  }
0x92: {  	v63 =	vmax.f32 v30, v31;
	v3 =	vld.idx.msk [tilespmem:v20+s22+$0x0], $0xffff;
	v1 =	vmax.f32 v1, v2;
	v2 =	vmax.f32 v28, v29  }
0x93: {  	v32 =	vadd.s32 $0x181, v0;
	v34 =	vld.idx.msk [tilespmem:v23+s22+$0x0], $0xffff;
	v29 =	vadd.s32 $0x180, v0;
	[tilespmem:s31+$0xFFFFFFC0] =	vst v1;
	v1 =	vmax.f32 v2, v63  }
0x94: {  	v35 =	vld.idx.msk [tilespmem:v24+s22+$0x0], $0xffff;
	v30 =	vadd.s32 $0x182, v0;
	v2 =	vmax.f32 v57, v58;
	[tilespmem:s31+$0xFFFFFFD0] =	vst v1;
	v1 =	vmax.f32 v55, v56  }
0x95: {  	v36 =	vld.idx.msk [tilespmem:v25+s22+$0x0], $0xffff;
	v4 =	vmax.f32 v40, v61;
	v1 =	vmax.f32 v1, v2;
	v2 =	vmax.f32 v59, v60  }
0x96: {  	v37 =	vld.idx.msk [tilespmem:v26+s22+$0x0], $0xffff;
	v31 =	vadd.s32 $0x183, v0;
	[tilespmem:s31+$0xFFFFFFE0] =	vst v1;
	v1 =	vmax.f32 v2, v4  }
0x97: {  	s7 =	simm.s32 $0x0;
	v39 =	vld.idx.msk [tilespmem:v27+s22+$0x0], $0xffff;
	v28 =	vadd.s32 $0x200, v0;
	v38 =	vmax.f32 v3, v62;
	[tilespmem:s31+$0xFFFFFFF0] =	vst v1  }
.LBB2_5:
0x98: {  	v1 =	vor.u32 $0x1, v28;
	v2 =	vor.u32 $0x2, v28;
	v3 =	vadd.s32 $0x1C0, v28;
	v4 =	vld.idx.msk [tilespmem:v29+s22+$0x0], $0xffff  }
0x99: {  	v5 =	vor.u32 $0x3, v28;
	v6 =	vadd.s32 $0x40, v28;
	v7 =	vadd.s32 $0x1C1, v28;
	v8 =	vld.idx.msk [tilespmem:v32+s22+$0x0], $0xffff  }
0x9a: {  	v40 =	vadd.s32 $0x41, v28;
	v41 =	vadd.s32 $0x42, v28;
	v29 =	vadd.s32 $0x1C2, v28;
	v42 =	vld.idx.msk [tilespmem:v30+s22+$0x0], $0xffff  }
0x9b: {  	v43 =	vadd.s32 $0x43, v28;
	v44 =	vadd.s32 $0x80, v28;
	s7 =	sadd.s32 $0x8, s7;
	v30 =	vadd.s32 $0x1C3, v28;
	v45 =	vld.idx.msk [tilespmem:v31+s22+$0x0], $0xffff  }
0x9c: {  	v47 =	vadd.s32 $0x81, v28;
	v48 =	vadd.s32 $0x82, v28;
	v49 =	vadd.s32 $0x83, v28;
	p2 =	slt.u32 s7, $0x1F8;
	v46 =	vld.idx.msk [tilespmem:v28+s22+$0x0], $0xffff  }
0x9d: {  	v50 =	vadd.s32 $0xC0, v28;
	v51 =	vadd.s32 $0xC1, v28;
	v52 =	vadd.s32 $0xC2, v28;
	v3 =	vld.idx.msk [tilespmem:v3+s22+$0x0], $0xffff  }
0x9e: {  	v53 =	vadd.s32 $0xC3, v28;
	v54 =	vadd.s32 $0x100, v28;
	v55 =	vadd.s32 $0x101, v28;
	v7 =	vld.idx.msk [tilespmem:v7+s22+$0x0], $0xffff  }
0x9f: {  	v56 =	vadd.s32 $0x102, v28;
	v57 =	vadd.s32 $0x103, v28;
	v58 =	vadd.s32 $0x140, v28;
	v59 =	vld.idx.msk [tilespmem:v29+s22+$0x0], $0xffff  }
0xa0: {  	v60 =	vadd.s32 $0x141, v28;
	v61 =	vadd.s32 $0x142, v28;
	v62 =	vadd.s32 $0x143, v28;
	v63 =	vld.idx.msk [tilespmem:v30+s22+$0x0], $0xffff  }
0xa1: {  	v32 =	vadd.s32 $0x181, v28;
	v29 =	vadd.s32 $0x180, v28;
	v30 =	vadd.s32 $0x182, v28;
	v1 =	vld.idx.msk [tilespmem:v1+s22+$0x0], $0xffff  }
0xa2: {  	v33 =	vmax.f32 v33, v34;
	v34 =	vmax.f32 v35, v36;
	v31 =	vadd.s32 $0x183, v28;
	v2 =	vld.idx.msk [tilespmem:v2+s22+$0x0], $0xffff  }
0xa3: {  	v35 =	vmax.f32 v37, v39;
	v4 =	vmax.f32 v4, v8;
	v8 =	vmax.f32 v42, v45;
	v5 =	vld.idx.msk [tilespmem:v5+s22+$0x0], $0xffff  }
0xa4: {  	v33 =	vmax.f32 v38, v33;
	v34 =	vmax.f32 v34, v35;
	v4 =	vmax.f32 v4, v8;
	v6 =	vld.idx.msk [tilespmem:v6+s22+$0x0], $0xffff  }
0xa5: {  	v8 =	vld.idx.msk [tilespmem:v40+s22+$0x0], $0xffff;
	[tilespmem:s31+$0x0] =	vst v33  }
0xa6: {  	v3 =	vmax.f32 v3, v7;
	v7 =	vmax.f32 v59, v63;
	v33 =	vld.idx.msk [tilespmem:v41+s22+$0x0], $0xffff;
	[tilespmem:s31+$0x10] =	vst v34  }
0xa7: {  	v1 =	vmax.f32 v46, v1;
	v3 =	vmax.f32 v3, v7;
	v34 =	vld.idx.msk [tilespmem:v43+s22+$0x0], $0xffff;
	[tilespmem:s31+$0x20] =	vst v4;
	s31 =	sadd.s32 $0x80, s31  }
0xa8: {  	v4 =	vld.idx.msk [tilespmem:v44+s22+$0x0], $0xffff;
	[tilespmem:s31+$0x30] =	vst v3  }
0xa9: {  	v2 =	vmax.f32 v2, v5;
	v3 =	vld.idx.msk [tilespmem:v47+s22+$0x0], $0xffff  }
0xaa: {  	v1 =	vmax.f32 v1, v2;
	v2 =	vld.idx.msk [tilespmem:v48+s22+$0x0], $0xffff  }
0xab: {  	[tilespmem:s31+$0xFFFFFFC0] =	vst v1;
	v1 =	vmax.f32 v6, v8;
	v5 =	vld.idx.msk [tilespmem:v49+s22+$0x0], $0xffff  }
0xac: {  	v6 =	vld.idx.msk [tilespmem:v50+s22+$0x0], $0xffff  }
0xad: {  	v7 =	vmax.f32 v33, v34;
	v8 =	vld.idx.msk [tilespmem:v51+s22+$0x0], $0xffff  }
0xae: {  	v1 =	vmax.f32 v1, v7;
	v7 =	vld.idx.msk [tilespmem:v52+s22+$0x0], $0xffff  }
0xaf: {  	[tilespmem:s31+$0xFFFFFFD0] =	vst v1;
	v1 =	vmax.f32 v4, v3;
	v3 =	vld.idx.msk [tilespmem:v53+s22+$0x0], $0xffff  }
0xb0: {  	v4 =	vld.idx.msk [tilespmem:v54+s22+$0x0], $0xffff  }
0xb1: {  	v2 =	vmax.f32 v2, v5;
	v5 =	vld.idx.msk [tilespmem:v55+s22+$0x0], $0xffff  }
0xb2: {  	v1 =	vmax.f32 v1, v2;
	v33 =	vld.idx.msk [tilespmem:v56+s22+$0x0], $0xffff  }
.Ltmp1:
0xb3: {  	[tilespmem:s31+$0xFFFFFFE0] =	vst v1;
	v1 =	vmax.f32 v6, v8;
	v34 =	vld.idx.msk [tilespmem:v57+s22+$0x0], $0xffff;
	(pc) =	sbr.rel @p2 .LBB2_5-.Ltmp1, $4  }
0xb4: {  	v35 =	vld.idx.msk [tilespmem:v58+s22+$0x0], $0xffff  }
0xb5: {  	v2 =	vmax.f32 v7, v3;
	v36 =	vld.idx.msk [tilespmem:v60+s22+$0x0], $0xffff  }
0xb6: {  	v1 =	vmax.f32 v1, v2;
	v37 =	vld.idx.msk [tilespmem:v61+s22+$0x0], $0xffff  }
0xb7: {  	v28 =	vadd.s32 $0x200, v28;
	v38 =	vmax.f32 v4, v5;
	[tilespmem:s31+$0xFFFFFFF0] =	vst v1;
	v39 =	vld.idx.msk [tilespmem:v62+s22+$0x0], $0xffff  }
0xb8: {  	_ =	sdelay $0x3  }
0xb9: {  	v1 =	vld.idx.msk [tilespmem:v29+s22+$0x0], $0xffff  }
0xba: {  	v2 =	vld.idx.msk [tilespmem:v32+s22+$0x0], $0xffff  }
0xbb: {  	v3 =	vld.idx.msk [tilespmem:v30+s22+$0x0], $0xffff  }
0xbc: {  	v4 =	vld.idx.msk [tilespmem:v31+s22+$0x0], $0xffff  }
0xbd: {  	v5 =	vmax.f32 v33, v34  }
0xbe: {  	v5 =	vmax.f32 v38, v5  }
0xbf: {  	[tilespmem:s31+$0x0] =	vst v5  }
0xc0: {  	v6 =	vmax.f32 v35, v36;
	s5 =	rddreg [dreg:$0x6];
	v7 =	vmax.f32 v37, v39  }
0xc1: {  	s5 =	sadd.s32 s19, s5;
	v1 =	vmax.f32 v1, v2;
	v2 =	vmax.f32 v3, v4;
	v3 =	vmax.f32 v6, v7  }
0xc2: {  	s5 =	sshrl.u32 s5, $0x3;
	v1 =	vmax.f32 v1, v2;
	[tilespmem:s31+$0x10] =	vst v3  }
0xc3: {  	s5 =	sadd.s32 s2, s5;
	[tilespmem:s31+$0x20] =	vst v1  }
0xc4: {  	[hbm4b:s5+s20] =	stream.strided.scatter [tilespmem:s28], [sflag:$0x5], $0x2000, s21, s20, $0x38;
	[tilespmem:$0x1E000] =	vst v63  }
0xc5: {  	s7 =	simm.s32 @!p0 $0x400;
	s5 =	sadd.s32 @!p0 s6, s11;
	_ =	swait.ge [sflag:s29], $0x8000  }
0xc6: {  	s9 =	simm.s32 @!p0 $0x8000;
	s5 =	sshrl.u32 @!p0 s5, $0x3;
	[sflag:s29] =	ssyncset.done $0x0  }
0xc7: {  	s6 =	simm.s32 @!p0 $0x80;
	s5 =	sadd.s32 @!p0 s1, s5;
	[sflag:s29] =	ssyncadd.s32 $0xFFFF8000  }
0xc8: {  	[tilespmem:s9], [sflag:$0x2] =	stream.strided.gather @!p0 [hbm4b:s5+s6], $0x8000, s7, s6, $0x38;
	[tilespmem:$0x1E000] =	vst v63  }
0xc9: {  	_ =	swait.ge @p1 [sflag:s0], $0x2000  }
0xca: {  	v2 =	vld [tilespmem:$0x1FF80]  }
0xcb: {  	v3 =	vld [tilespmem:$0x1FF90]  }
0xcc: {  	v51 =	vld [tilespmem:$0x1FFA0]  }
0xcd: {  	v52 =	vld [tilespmem:$0x1FFB0]  }
0xce: {  	v53 =	vld [tilespmem:$0x1FFC0]  }
0xcf: {  	v54 =	vld [tilespmem:$0x1FFD0]  }
0xd0: {  	[sflag:s0] =	ssyncset.done @p1 $0x0;
	v8 =	vld [tilespmem:$0x1FFE0]  }
0xd1: {  	v28 =	vld [tilespmem:$0x1FFF0];
	[sflag:s0] =	ssyncadd.s32 @p1 $0xFFFFE000  }
0xd2: {  	v1 =	vld.idx.msk [tilespmem:v0+s24+$0x0], $0xffff  }
0xd3: {  	v29 =	vld.idx.msk [tilespmem:v9+s24+$0x0], $0xffff  }
0xd4: {  	v30 =	vld.idx.msk [tilespmem:v10+s24+$0x0], $0xffff  }
0xd5: {  	v31 =	vld.idx.msk [tilespmem:v11+s24+$0x0], $0xffff  }
0xd6: {  	v55 =	vld.idx.msk [tilespmem:v12+s24+$0x0], $0xffff  }
0xd7: {  	v56 =	vld.idx.msk [tilespmem:v13+s24+$0x0], $0xffff  }
0xd8: {  	v57 =	vld.idx.msk [tilespmem:v14+s24+$0x0], $0xffff  }
0xd9: {  	v58 =	vld.idx.msk [tilespmem:v15+s24+$0x0], $0xffff  }
0xda: {  	v59 =	vld.idx.msk [tilespmem:v16+s24+$0x0], $0xffff  }
0xdb: {  	v60 =	vld.idx.msk [tilespmem:v17+s24+$0x0], $0xffff  }
0xdc: {  	v2 =	vld.idx.msk [tilespmem:v2+s24+$0x0], $0xffff  }
0xdd: {  	v3 =	vld.idx.msk [tilespmem:v3+s24+$0x0], $0xffff  }
0xde: {  	v4 =	vld.idx.msk [tilespmem:v51+s24+$0x0], $0xffff  }
0xdf: {  	v5 =	vld.idx.msk [tilespmem:v52+s24+$0x0], $0xffff  }
0xe0: {  	v6 =	vld.idx.msk [tilespmem:v53+s24+$0x0], $0xffff  }
0xe1: {  	v7 =	vld.idx.msk [tilespmem:v54+s24+$0x0], $0xffff  }
0xe2: {  	v8 =	vld.idx.msk [tilespmem:v8+s24+$0x0], $0xffff  }
0xe3: {  	v28 =	vld.idx.msk [tilespmem:v28+s24+$0x0], $0xffff  }
0xe4: {  	v40 =	vld.idx.msk [tilespmem:v18+s24+$0x0], $0xffff  }
0xe5: {  	v61 =	vld.idx.msk [tilespmem:v19+s24+$0x0], $0xffff;
	v2 =	vmax.f32 v2, v3;
	v3 =	vmax.f32 v4, v5  }
0xe6: {  	s6 =	simm.s32 $0x1C040;
	v62 =	vld.idx.msk [tilespmem:v21+s24+$0x0], $0xffff;
	v2 =	vmax.f32 v2, v3  }
0xe7: {  	v33 =	vld.idx.msk [tilespmem:v22+s24+$0x0], $0xffff;
	v1 =	vmax.f32 v1, v6;
	[tilespmem:s6+$0x30] =	vst v2;
	v2 =	vmax.f32 v7, v8  }
0xe8: {  	v63 =	vmax.f32 v30, v31;
	v3 =	vld.idx.msk [tilespmem:v20+s24+$0x0], $0xffff;
	v1 =	vmax.f32 v1, v2;
	v2 =	vmax.f32 v28, v29  }
0xe9: {  	v32 =	vadd.s32 $0x181, v0;
	v34 =	vld.idx.msk [tilespmem:v23+s24+$0x0], $0xffff;
	v29 =	vadd.s32 $0x180, v0;
	[tilespmem:s6+$0xFFFFFFC0] =	vst v1;
	v1 =	vmax.f32 v2, v63  }
0xea: {  	v35 =	vld.idx.msk [tilespmem:v24+s24+$0x0], $0xffff;
	v30 =	vadd.s32 $0x182, v0;
	v2 =	vmax.f32 v57, v58;
	[tilespmem:s6+$0xFFFFFFD0] =	vst v1;
	v1 =	vmax.f32 v55, v56  }
0xeb: {  	v36 =	vld.idx.msk [tilespmem:v25+s24+$0x0], $0xffff;
	v4 =	vmax.f32 v40, v61;
	v1 =	vmax.f32 v1, v2;
	v2 =	vmax.f32 v59, v60  }
0xec: {  	v37 =	vld.idx.msk [tilespmem:v26+s24+$0x0], $0xffff;
	v31 =	vadd.s32 $0x183, v0;
	[tilespmem:s6+$0xFFFFFFE0] =	vst v1;
	v1 =	vmax.f32 v2, v4  }
0xed: {  	s7 =	simm.s32 $0x0;
	v39 =	vld.idx.msk [tilespmem:v27+s24+$0x0], $0xffff;
	v28 =	vadd.s32 $0x200, v0;
	v38 =	vmax.f32 v3, v62;
	[tilespmem:s6+$0xFFFFFFF0] =	vst v1  }
.LBB2_7:
0xee: {  	v1 =	vor.u32 $0x1, v28;
	v2 =	vor.u32 $0x2, v28;
	v3 =	vadd.s32 $0x1C0, v28;
	v4 =	vld.idx.msk [tilespmem:v29+s24+$0x0], $0xffff  }
0xef: {  	v5 =	vor.u32 $0x3, v28;
	v6 =	vadd.s32 $0x40, v28;
	v7 =	vadd.s32 $0x1C1, v28;
	v8 =	vld.idx.msk [tilespmem:v32+s24+$0x0], $0xffff  }
0xf0: {  	v40 =	vadd.s32 $0x41, v28;
	v41 =	vadd.s32 $0x42, v28;
	v29 =	vadd.s32 $0x1C2, v28;
	v42 =	vld.idx.msk [tilespmem:v30+s24+$0x0], $0xffff  }
0xf1: {  	v43 =	vadd.s32 $0x43, v28;
	v44 =	vadd.s32 $0x80, v28;
	s7 =	sadd.s32 $0x8, s7;
	v30 =	vadd.s32 $0x1C3, v28;
	v45 =	vld.idx.msk [tilespmem:v31+s24+$0x0], $0xffff  }
0xf2: {  	v47 =	vadd.s32 $0x81, v28;
	v48 =	vadd.s32 $0x82, v28;
	v49 =	vadd.s32 $0x83, v28;
	p0 =	slt.u32 s7, $0x1F8;
	v46 =	vld.idx.msk [tilespmem:v28+s24+$0x0], $0xffff  }
0xf3: {  	v50 =	vadd.s32 $0xC0, v28;
	v51 =	vadd.s32 $0xC1, v28;
	v52 =	vadd.s32 $0xC2, v28;
	v3 =	vld.idx.msk [tilespmem:v3+s24+$0x0], $0xffff  }
0xf4: {  	v53 =	vadd.s32 $0xC3, v28;
	v54 =	vadd.s32 $0x100, v28;
	v55 =	vadd.s32 $0x101, v28;
	v7 =	vld.idx.msk [tilespmem:v7+s24+$0x0], $0xffff  }
0xf5: {  	v56 =	vadd.s32 $0x102, v28;
	v57 =	vadd.s32 $0x103, v28;
	v58 =	vadd.s32 $0x140, v28;
	v59 =	vld.idx.msk [tilespmem:v29+s24+$0x0], $0xffff  }
0xf6: {  	v60 =	vadd.s32 $0x141, v28;
	v61 =	vadd.s32 $0x142, v28;
	v62 =	vadd.s32 $0x143, v28;
	v63 =	vld.idx.msk [tilespmem:v30+s24+$0x0], $0xffff  }
0xf7: {  	v32 =	vadd.s32 $0x181, v28;
	v29 =	vadd.s32 $0x180, v28;
	v30 =	vadd.s32 $0x182, v28;
	v1 =	vld.idx.msk [tilespmem:v1+s24+$0x0], $0xffff  }
0xf8: {  	v33 =	vmax.f32 v33, v34;
	v34 =	vmax.f32 v35, v36;
	v31 =	vadd.s32 $0x183, v28;
	v2 =	vld.idx.msk [tilespmem:v2+s24+$0x0], $0xffff  }
0xf9: {  	v35 =	vmax.f32 v37, v39;
	v4 =	vmax.f32 v4, v8;
	v8 =	vmax.f32 v42, v45;
	v5 =	vld.idx.msk [tilespmem:v5+s24+$0x0], $0xffff  }
0xfa: {  	v33 =	vmax.f32 v38, v33;
	v34 =	vmax.f32 v34, v35;
	v4 =	vmax.f32 v4, v8;
	v6 =	vld.idx.msk [tilespmem:v6+s24+$0x0], $0xffff  }
0xfb: {  	v8 =	vld.idx.msk [tilespmem:v40+s24+$0x0], $0xffff;
	[tilespmem:s6+$0x0] =	vst v33  }
0xfc: {  	v3 =	vmax.f32 v3, v7;
	v7 =	vmax.f32 v59, v63;
	v33 =	vld.idx.msk [tilespmem:v41+s24+$0x0], $0xffff;
	[tilespmem:s6+$0x10] =	vst v34  }
0xfd: {  	v1 =	vmax.f32 v46, v1;
	v3 =	vmax.f32 v3, v7;
	v34 =	vld.idx.msk [tilespmem:v43+s24+$0x0], $0xffff;
	[tilespmem:s6+$0x20] =	vst v4;
	s6 =	sadd.s32 $0x80, s6  }
0xfe: {  	v4 =	vld.idx.msk [tilespmem:v44+s24+$0x0], $0xffff;
	[tilespmem:s6+$0x30] =	vst v3  }
0xff: {  	v2 =	vmax.f32 v2, v5;
	v3 =	vld.idx.msk [tilespmem:v47+s24+$0x0], $0xffff  }
0x100: {  	v1 =	vmax.f32 v1, v2;
	v2 =	vld.idx.msk [tilespmem:v48+s24+$0x0], $0xffff  }
0x101: {  	[tilespmem:s6+$0xFFFFFFC0] =	vst v1;
	v1 =	vmax.f32 v6, v8;
	v5 =	vld.idx.msk [tilespmem:v49+s24+$0x0], $0xffff  }
0x102: {  	v6 =	vld.idx.msk [tilespmem:v50+s24+$0x0], $0xffff  }
0x103: {  	v7 =	vmax.f32 v33, v34;
	v8 =	vld.idx.msk [tilespmem:v51+s24+$0x0], $0xffff  }
0x104: {  	v1 =	vmax.f32 v1, v7;
	v7 =	vld.idx.msk [tilespmem:v52+s24+$0x0], $0xffff  }
0x105: {  	[tilespmem:s6+$0xFFFFFFD0] =	vst v1;
	v1 =	vmax.f32 v4, v3;
	v3 =	vld.idx.msk [tilespmem:v53+s24+$0x0], $0xffff  }
0x106: {  	v4 =	vld.idx.msk [tilespmem:v54+s24+$0x0], $0xffff  }
0x107: {  	v2 =	vmax.f32 v2, v5;
	v5 =	vld.idx.msk [tilespmem:v55+s24+$0x0], $0xffff  }
0x108: {  	v1 =	vmax.f32 v1, v2;
	v33 =	vld.idx.msk [tilespmem:v56+s24+$0x0], $0xffff  }
.Ltmp2:
0x109: {  	[tilespmem:s6+$0xFFFFFFE0] =	vst v1;
	v1 =	vmax.f32 v6, v8;
	v34 =	vld.idx.msk [tilespmem:v57+s24+$0x0], $0xffff;
	(pc) =	sbr.rel @p0 .LBB2_7-.Ltmp2, $4  }
0x10a: {  	v35 =	vld.idx.msk [tilespmem:v58+s24+$0x0], $0xffff  }
0x10b: {  	v2 =	vmax.f32 v7, v3;
	v36 =	vld.idx.msk [tilespmem:v60+s24+$0x0], $0xffff  }
0x10c: {  	v1 =	vmax.f32 v1, v2;
	v37 =	vld.idx.msk [tilespmem:v61+s24+$0x0], $0xffff  }
0x10d: {  	v28 =	vadd.s32 $0x200, v28;
	v38 =	vmax.f32 v4, v5;
	[tilespmem:s6+$0xFFFFFFF0] =	vst v1;
	v39 =	vld.idx.msk [tilespmem:v62+s24+$0x0], $0xffff  }
0x10e: {  	_ =	sdelay $0x3  }
0x10f: {  	v1 =	vld.idx.msk [tilespmem:v29+s24+$0x0], $0xffff  }
0x110: {  	v2 =	vld.idx.msk [tilespmem:v32+s24+$0x0], $0xffff  }
0x111: {  	v3 =	vld.idx.msk [tilespmem:v30+s24+$0x0], $0xffff  }
0x112: {  	v4 =	vld.idx.msk [tilespmem:v31+s24+$0x0], $0xffff;
	_ =	sdelay $0x1  }
0x113: {  	s13 =	sadd.s32 $0x1, s13  }
0x114: {  	v5 =	vmax.f32 v33, v34;
	p0 =	sne.s32 s13, $0x8  }
.Ltmp3:
0x115: {  	s5 =	sshll.u32 s14, $0x10;
	v5 =	vmax.f32 v38, v5;
	v6 =	vmax.f32 v35, v36;
	v7 =	vmax.f32 v37, v39;
	(pc) =	sbr.rel @p0 .LBB2_2-.Ltmp3, $4  }
0x116: {  	s5 =	sadd.s32 s8, s5;
	[tilespmem:s6+$0x0] =	vst v5;
	v1 =	vmax.f32 v1, v2;
	v2 =	vmax.f32 v3, v4;
	v3 =	vmax.f32 v6, v7  }
0x117: {  	s5 =	sshrl.u32 s5, $0x3;
	v1 =	vmax.f32 v1, v2;
	[tilespmem:s6+$0x10] =	vst v3  }
0x118: {  	s5 =	sadd.s32 s2, s5;
	[tilespmem:s6+$0x20] =	vst v1  }
0x119: {  	[hbm4b:s5+s20] =	stream.strided.scatter [tilespmem:s30], [sflag:$0x6], $0x2000, s21, s20, $0x38;
	[tilespmem:$0x1E000] =	vst v63  }
0x11a: {  	s5 =	simm.s32 $0x4  }
0x11b: {  	_ =	swait.ge [sflag:s5], $0x2000  }
0x11c: {  	[sflag:s5] =	ssyncset.done $0x0  }
0x11d: {  	[sflag:s5] =	ssyncadd.s32 $0xFFFFE000  }
0x11e: {  	_ =	swait.ge [sflag:s3], $0x2000  }
0x11f: {  	[sflag:s3] =	ssyncset.done $0x0  }
0x120: {  	[sflag:s3] =	ssyncadd.s32 $0xFFFFE000  }
0x121: {  	_ =	swait.ge [sflag:s0], $0x2000  }
0x122: {  	[sflag:s0] =	ssyncset.done $0x0  }
0x123: {  	s13 =	simm.s32 $0x0;
	s19 =	rddreg [dreg:$0x7];
	[sflag:s0] =	ssyncadd.s32 $0xFFFFE000  }
0x124: {  	[tilespmem:s13], [sflag:$0x1] =	stream.strided.gather [hbm4b:s19+s20], $0x8000, s21, s20, $0x38;
	[tilespmem:$0x1E000] =	vst v63  }
0x125: {  	s31 =	rddreg [dreg:$0x8]  }
0x126: {  	[tilespmem:s22], [sflag:$0x2] =	stream.strided.gather [hbm4b:s31+s20], $0x8000, s21, s20, $0x38;
	[tilespmem:$0x1E000] =	vst v63  }
.LBB2_10:
0x127: {  	s5 =	smul.u32 $0x3, s13;
	_ =	sdelay $0x1  }
0x128: {  	s14 =	sadd.s32 $0x2, s5  }
0x129: {  	s5 =	sshll.u32 s14, $0x12  }
0x12a: {  	_ =	swait.ge [sflag:s23], $0x8000;
	s5 =	sadd.s32 s12, s5  }
0x12b: {  	[sflag:s23] =	ssyncset.done $0x0;
	s5 =	sshrl.u32 s5, $0x3  }
0x12c: {  	p0 =	seq.s32 s13, $0x0;
	[sflag:s23] =	ssyncadd.s32 $0xFFFF8000;
	s5 =	sadd.s32 s1, s5  }
0x12d: {  	[tilespmem:s24], [sflag:$0x3] =	stream.strided.gather [hbm4b:s5+s20], $0x8000, s21, s20, $0x38;
	[tilespmem:$0x1E000] =	vst v63  }
0x12e: {  	s5 =	simm.s32 @!p0 $0x4  }
0x12f: {  	_ =	swait.ge @!p0 [sflag:s5], $0x2000  }
0x130: {  	v2 =	vld [tilespmem:$0x1FF80]  }
0x131: {  	v3 =	vld [tilespmem:$0x1FF90]  }
0x132: {  	v4 =	vld [tilespmem:$0x1FFA0]  }
0x133: {  	v5 =	vld [tilespmem:$0x1FFB0]  }
0x134: {  	v6 =	vld [tilespmem:$0x1FFC0]  }
0x135: {  	v7 =	vld [tilespmem:$0x1FFD0]  }
0x136: {  	[sflag:s5] =	ssyncset.done @!p0 $0x0;
	v8 =	vld [tilespmem:$0x1FFE0]  }
0x137: {  	v28 =	vld [tilespmem:$0x1FFF0];
	[sflag:s5] =	ssyncadd.s32 @!p0 $0xFFFFE000  }
0x138: {  	v1 =	vld.idx.msk [tilespmem:v0+s4+$0x0], $0xffff  }
0x139: {  	v29 =	vld.idx.msk [tilespmem:v9+s4+$0x0], $0xffff  }
0x13a: {  	v30 =	vld.idx.msk [tilespmem:v10+s4+$0x0], $0xffff  }
0x13b: {  	v31 =	vld.idx.msk [tilespmem:v11+s4+$0x0], $0xffff  }
0x13c: {  	v32 =	vld.idx.msk [tilespmem:v12+s4+$0x0], $0xffff  }
0x13d: {  	v35 =	vld.idx.msk [tilespmem:v13+s4+$0x0], $0xffff  }
0x13e: {  	v36 =	vld.idx.msk [tilespmem:v14+s4+$0x0], $0xffff  }
0x13f: {  	v37 =	vld.idx.msk [tilespmem:v15+s4+$0x0], $0xffff  }
0x140: {  	v38 =	vld.idx.msk [tilespmem:v16+s4+$0x0], $0xffff  }
0x141: {  	v39 =	vld.idx.msk [tilespmem:v17+s4+$0x0], $0xffff  }
0x142: {  	v2 =	vld.idx.msk [tilespmem:v2+s4+$0x0], $0xffff  }
0x143: {  	v3 =	vld.idx.msk [tilespmem:v3+s4+$0x0], $0xffff  }
0x144: {  	v4 =	vld.idx.msk [tilespmem:v4+s4+$0x0], $0xffff  }
0x145: {  	v5 =	vld.idx.msk [tilespmem:v5+s4+$0x0], $0xffff  }
0x146: {  	v6 =	vld.idx.msk [tilespmem:v6+s4+$0x0], $0xffff  }
0x147: {  	v7 =	vld.idx.msk [tilespmem:v7+s4+$0x0], $0xffff  }
0x148: {  	v8 =	vld.idx.msk [tilespmem:v8+s4+$0x0], $0xffff  }
0x149: {  	v28 =	vld.idx.msk [tilespmem:v28+s4+$0x0], $0xffff  }
0x14a: {  	v40 =	vld.idx.msk [tilespmem:v18+s4+$0x0], $0xffff  }
0x14b: {  	v61 =	vld.idx.msk [tilespmem:v19+s4+$0x0], $0xffff;
	v2 =	vmax.f32 v2, v3;
	v3 =	vmax.f32 v4, v5  }
0x14c: {  	s6 =	simm.s32 $0x18040;
	v62 =	vld.idx.msk [tilespmem:v21+s4+$0x0], $0xffff;
	v2 =	vmax.f32 v2, v3  }
0x14d: {  	v33 =	vld.idx.msk [tilespmem:v22+s4+$0x0], $0xffff;
	v1 =	vmax.f32 v1, v6;
	[tilespmem:s6+$0x30] =	vst v2;
	v2 =	vmax.f32 v7, v8  }
0x14e: {  	v63 =	vmax.f32 v30, v31;
	v3 =	vld.idx.msk [tilespmem:v20+s4+$0x0], $0xffff;
	v1 =	vmax.f32 v1, v2;
	v2 =	vmax.f32 v28, v29  }
0x14f: {  	v34 =	vld.idx.msk [tilespmem:v23+s4+$0x0], $0xffff;
	v30 =	vadd.s32 $0x182, v0;
	v29 =	vadd.s32 $0x180, v0;
	[tilespmem:s6+$0xFFFFFFC0] =	vst v1;
	v1 =	vmax.f32 v2, v63  }
0x150: {  	v2 =	vmax.f32 v36, v37;
	v36 =	vld.idx.msk [tilespmem:v25+s4+$0x0], $0xffff;
	[tilespmem:s6+$0xFFFFFFD0] =	vst v1;
	v1 =	vmax.f32 v32, v35;
	v32 =	vadd.s32 $0x181, v0  }
0x151: {  	v4 =	vmax.f32 v40, v61;
	v37 =	vld.idx.msk [tilespmem:v26+s4+$0x0], $0xffff;
	v1 =	vmax.f32 v1, v2;
	v2 =	vmax.f32 v38, v39  }
0x152: {  	v31 =	vadd.s32 $0x183, v0;
	v35 =	vld.idx.msk [tilespmem:v24+s4+$0x0], $0xffff;
	[tilespmem:s6+$0xFFFFFFE0] =	vst v1;
	v1 =	vmax.f32 v2, v4  }
0x153: {  	s7 =	simm.s32 $0x0;
	v28 =	vadd.s32 $0x200, v0;
	v38 =	vmax.f32 v3, v62;
	v39 =	vld.idx.msk [tilespmem:v27+s4+$0x0], $0xffff;
	[tilespmem:s6+$0xFFFFFFF0] =	vst v1  }
.LBB2_11:
0x154: {  	v1 =	vor.u32 $0x1, v28;
	v2 =	vor.u32 $0x2, v28;
	v3 =	vadd.s32 $0x1C0, v28;
	v4 =	vld.idx.msk [tilespmem:v29+s4+$0x0], $0xffff  }
0x155: {  	v5 =	vor.u32 $0x3, v28;
	v6 =	vadd.s32 $0x40, v28;
	v7 =	vadd.s32 $0x1C1, v28;
	v8 =	vld.idx.msk [tilespmem:v32+s4+$0x0], $0xffff  }
0x156: {  	v40 =	vadd.s32 $0x41, v28;
	v41 =	vadd.s32 $0x42, v28;
	v29 =	vadd.s32 $0x1C2, v28;
	v42 =	vld.idx.msk [tilespmem:v30+s4+$0x0], $0xffff  }
0x157: {  	v43 =	vadd.s32 $0x43, v28;
	v44 =	vadd.s32 $0x80, v28;
	s7 =	sadd.s32 $0x8, s7;
	v30 =	vadd.s32 $0x1C3, v28;
	v45 =	vld.idx.msk [tilespmem:v31+s4+$0x0], $0xffff  }
0x158: {  	v47 =	vadd.s32 $0x81, v28;
	v48 =	vadd.s32 $0x82, v28;
	v49 =	vadd.s32 $0x83, v28;
	p0 =	slt.u32 s7, $0x1F8;
	v46 =	vld.idx.msk [tilespmem:v28+s4+$0x0], $0xffff  }
0x159: {  	v50 =	vadd.s32 $0xC0, v28;
	v51 =	vadd.s32 $0xC1, v28;
	v52 =	vadd.s32 $0xC2, v28;
	v3 =	vld.idx.msk [tilespmem:v3+s4+$0x0], $0xffff  }
0x15a: {  	v53 =	vadd.s32 $0xC3, v28;
	v54 =	vadd.s32 $0x100, v28;
	v55 =	vadd.s32 $0x101, v28;
	v7 =	vld.idx.msk [tilespmem:v7+s4+$0x0], $0xffff  }
0x15b: {  	v56 =	vadd.s32 $0x102, v28;
	v57 =	vadd.s32 $0x103, v28;
	v58 =	vadd.s32 $0x140, v28;
	v59 =	vld.idx.msk [tilespmem:v29+s4+$0x0], $0xffff  }
0x15c: {  	v60 =	vadd.s32 $0x141, v28;
	v61 =	vadd.s32 $0x142, v28;
	v62 =	vadd.s32 $0x143, v28;
	v63 =	vld.idx.msk [tilespmem:v30+s4+$0x0], $0xffff  }
0x15d: {  	v32 =	vadd.s32 $0x181, v28;
	v29 =	vadd.s32 $0x180, v28;
	v30 =	vadd.s32 $0x182, v28;
	v1 =	vld.idx.msk [tilespmem:v1+s4+$0x0], $0xffff  }
0x15e: {  	v33 =	vmax.f32 v33, v34;
	v34 =	vmax.f32 v35, v36;
	v31 =	vadd.s32 $0x183, v28;
	v2 =	vld.idx.msk [tilespmem:v2+s4+$0x0], $0xffff  }
0x15f: {  	v35 =	vmax.f32 v37, v39;
	v4 =	vmax.f32 v4, v8;
	v8 =	vmax.f32 v42, v45;
	v5 =	vld.idx.msk [tilespmem:v5+s4+$0x0], $0xffff  }
0x160: {  	v33 =	vmax.f32 v38, v33;
	v34 =	vmax.f32 v34, v35;
	v4 =	vmax.f32 v4, v8;
	v6 =	vld.idx.msk [tilespmem:v6+s4+$0x0], $0xffff  }
0x161: {  	v8 =	vld.idx.msk [tilespmem:v40+s4+$0x0], $0xffff;
	[tilespmem:s6+$0x0] =	vst v33  }
0x162: {  	v3 =	vmax.f32 v3, v7;
	v7 =	vmax.f32 v59, v63;
	v33 =	vld.idx.msk [tilespmem:v41+s4+$0x0], $0xffff;
	[tilespmem:s6+$0x10] =	vst v34  }
0x163: {  	v1 =	vmax.f32 v46, v1;
	v3 =	vmax.f32 v3, v7;
	v34 =	vld.idx.msk [tilespmem:v43+s4+$0x0], $0xffff;
	[tilespmem:s6+$0x20] =	vst v4;
	s6 =	sadd.s32 $0x80, s6  }
0x164: {  	v4 =	vld.idx.msk [tilespmem:v44+s4+$0x0], $0xffff;
	[tilespmem:s6+$0x30] =	vst v3  }
0x165: {  	v2 =	vmax.f32 v2, v5;
	v3 =	vld.idx.msk [tilespmem:v47+s4+$0x0], $0xffff  }
0x166: {  	v1 =	vmax.f32 v1, v2;
	v2 =	vld.idx.msk [tilespmem:v48+s4+$0x0], $0xffff  }
0x167: {  	[tilespmem:s6+$0xFFFFFFC0] =	vst v1;
	v1 =	vmax.f32 v6, v8;
	v5 =	vld.idx.msk [tilespmem:v49+s4+$0x0], $0xffff  }
0x168: {  	v6 =	vld.idx.msk [tilespmem:v50+s4+$0x0], $0xffff  }
0x169: {  	v7 =	vmax.f32 v33, v34;
	v8 =	vld.idx.msk [tilespmem:v51+s4+$0x0], $0xffff  }
0x16a: {  	v1 =	vmax.f32 v1, v7;
	v7 =	vld.idx.msk [tilespmem:v52+s4+$0x0], $0xffff  }
0x16b: {  	[tilespmem:s6+$0xFFFFFFD0] =	vst v1;
	v1 =	vmax.f32 v4, v3;
	v3 =	vld.idx.msk [tilespmem:v53+s4+$0x0], $0xffff  }
0x16c: {  	v4 =	vld.idx.msk [tilespmem:v54+s4+$0x0], $0xffff  }
0x16d: {  	v2 =	vmax.f32 v2, v5;
	v5 =	vld.idx.msk [tilespmem:v55+s4+$0x0], $0xffff  }
0x16e: {  	v1 =	vmax.f32 v1, v2;
	v33 =	vld.idx.msk [tilespmem:v56+s4+$0x0], $0xffff  }
.Ltmp4:
0x16f: {  	[tilespmem:s6+$0xFFFFFFE0] =	vst v1;
	v1 =	vmax.f32 v6, v8;
	v34 =	vld.idx.msk [tilespmem:v57+s4+$0x0], $0xffff;
	(pc) =	sbr.rel @p0 .LBB2_11-.Ltmp4, $4  }
0x170: {  	v35 =	vld.idx.msk [tilespmem:v58+s4+$0x0], $0xffff  }
0x171: {  	v2 =	vmax.f32 v7, v3;
	v36 =	vld.idx.msk [tilespmem:v60+s4+$0x0], $0xffff  }
0x172: {  	v1 =	vmax.f32 v1, v2;
	v37 =	vld.idx.msk [tilespmem:v61+s4+$0x0], $0xffff  }
0x173: {  	v28 =	vadd.s32 $0x200, v28;
	v38 =	vmax.f32 v4, v5;
	[tilespmem:s6+$0xFFFFFFF0] =	vst v1;
	v39 =	vld.idx.msk [tilespmem:v62+s4+$0x0], $0xffff  }
0x174: {  	_ =	sdelay $0x3  }
0x175: {  	v1 =	vld.idx.msk [tilespmem:v29+s4+$0x0], $0xffff  }
0x176: {  	v2 =	vld.idx.msk [tilespmem:v32+s4+$0x0], $0xffff  }
0x177: {  	v3 =	vld.idx.msk [tilespmem:v30+s4+$0x0], $0xffff  }
0x178: {  	v4 =	vld.idx.msk [tilespmem:v31+s4+$0x0], $0xffff;
	_ =	sdelay $0x2  }
0x179: {  	v5 =	vmax.f32 v33, v34;
	s19 =	smul.u32 $0x30000, s13  }
0x17a: {  	v5 =	vmax.f32 v38, v5;
	v6 =	vmax.f32 v35, v36;
	v7 =	vmax.f32 v37, v39  }
0x17b: {  	p0 =	seq.s32 s13, $0x7;
	[tilespmem:s6+$0x0] =	vst v5;
	s5 =	sadd.s32 s15, s19;
	v1 =	vmax.f32 v1, v2;
	v2 =	vmax.f32 v3, v4;
	v3 =	vmax.f32 v6, v7  }
0x17c: {  	p1 =	seq.s32 @!p0 s13, $0x0;
	s5 =	sshrl.u32 s5, $0x3;
	v1 =	vmax.f32 v1, v2;
	[tilespmem:s6+$0x10] =	vst v3  }
0x17d: {  	s7 =	simm.s32 @!p0 $0x80;
	s5 =	sadd.s32 s2, s5;
	[tilespmem:s6+$0x20] =	vst v1;
	s6 =	smul.u32 @!p0 $0xC0000, s13  }
0x17e: {  	[hbm4b:s5+s20] =	stream.strided.scatter [tilespmem:s25], [sflag:$0x4], $0x2000, s21, s20, $0x38;
	[tilespmem:$0x1E000] =	vst v63  }
0x17f: {  	s9 =	simm.s32 @!p0 $0x400;
	_ =	swait.ge [sflag:s26], $0x8000;
	s5 =	sadd.s32 @!p0 s6, s16  }
0x180: {  	s31 =	simm.s32 @!p0 $0x0;
	[sflag:s26] =	ssyncset.done $0x0;
	s5 =	sshrl.u32 @!p0 s5, $0x3  }
0x181: {  	p1 =	por p0, !p1;
	[sflag:s26] =	ssyncadd.s32 $0xFFFF8000;
	s5 =	sadd.s32 @!p0 s1, s5  }
0x182: {  	[tilespmem:s31], [sflag:$0x1] =	stream.strided.gather @!p0 [hbm4b:s5+s7], $0x8000, s9, s7, $0x38;
	[tilespmem:$0x1E000] =	vst v63  }
0x183: {  	_ =	swait.ge @p1 [sflag:s3], $0x2000  }
0x184: {  	v2 =	vld [tilespmem:$0x1FF80]  }
0x185: {  	v3 =	vld [tilespmem:$0x1FF90]  }
0x186: {  	v51 =	vld [tilespmem:$0x1FFA0]  }
0x187: {  	v52 =	vld [tilespmem:$0x1FFB0]  }
0x188: {  	v53 =	vld [tilespmem:$0x1FFC0]  }
0x189: {  	v54 =	vld [tilespmem:$0x1FFD0]  }
0x18a: {  	[sflag:s3] =	ssyncset.done @p1 $0x0;
	v8 =	vld [tilespmem:$0x1FFE0]  }
0x18b: {  	v28 =	vld [tilespmem:$0x1FFF0];
	[sflag:s3] =	ssyncadd.s32 @p1 $0xFFFFE000  }
0x18c: {  	v1 =	vld.idx.msk [tilespmem:v0+s22+$0x0], $0xffff  }
0x18d: {  	v29 =	vld.idx.msk [tilespmem:v9+s22+$0x0], $0xffff  }
0x18e: {  	v30 =	vld.idx.msk [tilespmem:v10+s22+$0x0], $0xffff  }
0x18f: {  	v31 =	vld.idx.msk [tilespmem:v11+s22+$0x0], $0xffff  }
0x190: {  	v55 =	vld.idx.msk [tilespmem:v12+s22+$0x0], $0xffff  }
0x191: {  	v56 =	vld.idx.msk [tilespmem:v13+s22+$0x0], $0xffff  }
0x192: {  	v57 =	vld.idx.msk [tilespmem:v14+s22+$0x0], $0xffff  }
0x193: {  	v58 =	vld.idx.msk [tilespmem:v15+s22+$0x0], $0xffff  }
0x194: {  	v59 =	vld.idx.msk [tilespmem:v16+s22+$0x0], $0xffff  }
0x195: {  	v60 =	vld.idx.msk [tilespmem:v17+s22+$0x0], $0xffff  }
0x196: {  	v2 =	vld.idx.msk [tilespmem:v2+s22+$0x0], $0xffff  }
0x197: {  	v3 =	vld.idx.msk [tilespmem:v3+s22+$0x0], $0xffff  }
0x198: {  	v4 =	vld.idx.msk [tilespmem:v51+s22+$0x0], $0xffff  }
0x199: {  	v5 =	vld.idx.msk [tilespmem:v52+s22+$0x0], $0xffff  }
0x19a: {  	v6 =	vld.idx.msk [tilespmem:v53+s22+$0x0], $0xffff  }
0x19b: {  	v7 =	vld.idx.msk [tilespmem:v54+s22+$0x0], $0xffff  }
0x19c: {  	v8 =	vld.idx.msk [tilespmem:v8+s22+$0x0], $0xffff  }
0x19d: {  	v28 =	vld.idx.msk [tilespmem:v28+s22+$0x0], $0xffff  }
0x19e: {  	v40 =	vld.idx.msk [tilespmem:v18+s22+$0x0], $0xffff  }
0x19f: {  	v61 =	vld.idx.msk [tilespmem:v19+s22+$0x0], $0xffff;
	v2 =	vmax.f32 v2, v3;
	v3 =	vmax.f32 v4, v5  }
0x1a0: {  	s31 =	simm.s32 $0x1A040;
	v62 =	vld.idx.msk [tilespmem:v21+s22+$0x0], $0xffff;
	v2 =	vmax.f32 v2, v3  }
0x1a1: {  	v33 =	vld.idx.msk [tilespmem:v22+s22+$0x0], $0xffff;
	v1 =	vmax.f32 v1, v6;
	[tilespmem:s31+$0x30] =	vst v2;
	v2 =	vmax.f32 v7, v8  }
0x1a2: {  	v63 =	vmax.f32 v30, v31;
	v3 =	vld.idx.msk [tilespmem:v20+s22+$0x0], $0xffff;
	v1 =	vmax.f32 v1, v2;
	v2 =	vmax.f32 v28, v29  }
0x1a3: {  	v32 =	vadd.s32 $0x181, v0;
	v34 =	vld.idx.msk [tilespmem:v23+s22+$0x0], $0xffff;
	v29 =	vadd.s32 $0x180, v0;
	[tilespmem:s31+$0xFFFFFFC0] =	vst v1;
	v1 =	vmax.f32 v2, v63  }
0x1a4: {  	v35 =	vld.idx.msk [tilespmem:v24+s22+$0x0], $0xffff;
	v30 =	vadd.s32 $0x182, v0;
	v2 =	vmax.f32 v57, v58;
	[tilespmem:s31+$0xFFFFFFD0] =	vst v1;
	v1 =	vmax.f32 v55, v56  }
0x1a5: {  	v36 =	vld.idx.msk [tilespmem:v25+s22+$0x0], $0xffff;
	v4 =	vmax.f32 v40, v61;
	v1 =	vmax.f32 v1, v2;
	v2 =	vmax.f32 v59, v60  }
0x1a6: {  	v37 =	vld.idx.msk [tilespmem:v26+s22+$0x0], $0xffff;
	v31 =	vadd.s32 $0x183, v0;
	[tilespmem:s31+$0xFFFFFFE0] =	vst v1;
	v1 =	vmax.f32 v2, v4  }
0x1a7: {  	s7 =	simm.s32 $0x0;
	v39 =	vld.idx.msk [tilespmem:v27+s22+$0x0], $0xffff;
	v28 =	vadd.s32 $0x200, v0;
	v38 =	vmax.f32 v3, v62;
	[tilespmem:s31+$0xFFFFFFF0] =	vst v1  }
.LBB2_13:
0x1a8: {  	v1 =	vor.u32 $0x1, v28;
	v2 =	vor.u32 $0x2, v28;
	v3 =	vadd.s32 $0x1C0, v28;
	v4 =	vld.idx.msk [tilespmem:v29+s22+$0x0], $0xffff  }
0x1a9: {  	v5 =	vor.u32 $0x3, v28;
	v6 =	vadd.s32 $0x40, v28;
	v7 =	vadd.s32 $0x1C1, v28;
	v8 =	vld.idx.msk [tilespmem:v32+s22+$0x0], $0xffff  }
0x1aa: {  	v40 =	vadd.s32 $0x41, v28;
	v41 =	vadd.s32 $0x42, v28;
	v29 =	vadd.s32 $0x1C2, v28;
	v42 =	vld.idx.msk [tilespmem:v30+s22+$0x0], $0xffff  }
0x1ab: {  	v43 =	vadd.s32 $0x43, v28;
	v44 =	vadd.s32 $0x80, v28;
	s7 =	sadd.s32 $0x8, s7;
	v30 =	vadd.s32 $0x1C3, v28;
	v45 =	vld.idx.msk [tilespmem:v31+s22+$0x0], $0xffff  }
0x1ac: {  	v47 =	vadd.s32 $0x81, v28;
	v48 =	vadd.s32 $0x82, v28;
	v49 =	vadd.s32 $0x83, v28;
	p2 =	slt.u32 s7, $0x1F8;
	v46 =	vld.idx.msk [tilespmem:v28+s22+$0x0], $0xffff  }
0x1ad: {  	v50 =	vadd.s32 $0xC0, v28;
	v51 =	vadd.s32 $0xC1, v28;
	v52 =	vadd.s32 $0xC2, v28;
	v3 =	vld.idx.msk [tilespmem:v3+s22+$0x0], $0xffff  }
0x1ae: {  	v53 =	vadd.s32 $0xC3, v28;
	v54 =	vadd.s32 $0x100, v28;
	v55 =	vadd.s32 $0x101, v28;
	v7 =	vld.idx.msk [tilespmem:v7+s22+$0x0], $0xffff  }
0x1af: {  	v56 =	vadd.s32 $0x102, v28;
	v57 =	vadd.s32 $0x103, v28;
	v58 =	vadd.s32 $0x140, v28;
	v59 =	vld.idx.msk [tilespmem:v29+s22+$0x0], $0xffff  }
0x1b0: {  	v60 =	vadd.s32 $0x141, v28;
	v61 =	vadd.s32 $0x142, v28;
	v62 =	vadd.s32 $0x143, v28;
	v63 =	vld.idx.msk [tilespmem:v30+s22+$0x0], $0xffff  }
0x1b1: {  	v32 =	vadd.s32 $0x181, v28;
	v29 =	vadd.s32 $0x180, v28;
	v30 =	vadd.s32 $0x182, v28;
	v1 =	vld.idx.msk [tilespmem:v1+s22+$0x0], $0xffff  }
0x1b2: {  	v33 =	vmax.f32 v33, v34;
	v34 =	vmax.f32 v35, v36;
	v31 =	vadd.s32 $0x183, v28;
	v2 =	vld.idx.msk [tilespmem:v2+s22+$0x0], $0xffff  }
0x1b3: {  	v35 =	vmax.f32 v37, v39;
	v4 =	vmax.f32 v4, v8;
	v8 =	vmax.f32 v42, v45;
	v5 =	vld.idx.msk [tilespmem:v5+s22+$0x0], $0xffff  }
0x1b4: {  	v33 =	vmax.f32 v38, v33;
	v34 =	vmax.f32 v34, v35;
	v4 =	vmax.f32 v4, v8;
	v6 =	vld.idx.msk [tilespmem:v6+s22+$0x0], $0xffff  }
0x1b5: {  	v8 =	vld.idx.msk [tilespmem:v40+s22+$0x0], $0xffff;
	[tilespmem:s31+$0x0] =	vst v33  }
0x1b6: {  	v3 =	vmax.f32 v3, v7;
	v7 =	vmax.f32 v59, v63;
	v33 =	vld.idx.msk [tilespmem:v41+s22+$0x0], $0xffff;
	[tilespmem:s31+$0x10] =	vst v34  }
0x1b7: {  	v1 =	vmax.f32 v46, v1;
	v3 =	vmax.f32 v3, v7;
	v34 =	vld.idx.msk [tilespmem:v43+s22+$0x0], $0xffff;
	[tilespmem:s31+$0x20] =	vst v4;
	s31 =	sadd.s32 $0x80, s31  }
0x1b8: {  	v4 =	vld.idx.msk [tilespmem:v44+s22+$0x0], $0xffff;
	[tilespmem:s31+$0x30] =	vst v3  }
0x1b9: {  	v2 =	vmax.f32 v2, v5;
	v3 =	vld.idx.msk [tilespmem:v47+s22+$0x0], $0xffff  }
0x1ba: {  	v1 =	vmax.f32 v1, v2;
	v2 =	vld.idx.msk [tilespmem:v48+s22+$0x0], $0xffff  }
0x1bb: {  	[tilespmem:s31+$0xFFFFFFC0] =	vst v1;
	v1 =	vmax.f32 v6, v8;
	v5 =	vld.idx.msk [tilespmem:v49+s22+$0x0], $0xffff  }
0x1bc: {  	v6 =	vld.idx.msk [tilespmem:v50+s22+$0x0], $0xffff  }
0x1bd: {  	v7 =	vmax.f32 v33, v34;
	v8 =	vld.idx.msk [tilespmem:v51+s22+$0x0], $0xffff  }
0x1be: {  	v1 =	vmax.f32 v1, v7;
	v7 =	vld.idx.msk [tilespmem:v52+s22+$0x0], $0xffff  }
0x1bf: {  	[tilespmem:s31+$0xFFFFFFD0] =	vst v1;
	v1 =	vmax.f32 v4, v3;
	v3 =	vld.idx.msk [tilespmem:v53+s22+$0x0], $0xffff  }
0x1c0: {  	v4 =	vld.idx.msk [tilespmem:v54+s22+$0x0], $0xffff  }
0x1c1: {  	v2 =	vmax.f32 v2, v5;
	v5 =	vld.idx.msk [tilespmem:v55+s22+$0x0], $0xffff  }
0x1c2: {  	v1 =	vmax.f32 v1, v2;
	v33 =	vld.idx.msk [tilespmem:v56+s22+$0x0], $0xffff  }
.Ltmp5:
0x1c3: {  	[tilespmem:s31+$0xFFFFFFE0] =	vst v1;
	v1 =	vmax.f32 v6, v8;
	v34 =	vld.idx.msk [tilespmem:v57+s22+$0x0], $0xffff;
	(pc) =	sbr.rel @p2 .LBB2_13-.Ltmp5, $4  }
0x1c4: {  	v35 =	vld.idx.msk [tilespmem:v58+s22+$0x0], $0xffff  }
0x1c5: {  	v2 =	vmax.f32 v7, v3;
	v36 =	vld.idx.msk [tilespmem:v60+s22+$0x0], $0xffff  }
0x1c6: {  	v1 =	vmax.f32 v1, v2;
	v37 =	vld.idx.msk [tilespmem:v61+s22+$0x0], $0xffff  }
0x1c7: {  	v28 =	vadd.s32 $0x200, v28;
	v38 =	vmax.f32 v4, v5;
	[tilespmem:s31+$0xFFFFFFF0] =	vst v1;
	v39 =	vld.idx.msk [tilespmem:v62+s22+$0x0], $0xffff  }
0x1c8: {  	_ =	sdelay $0x3  }
0x1c9: {  	v1 =	vld.idx.msk [tilespmem:v29+s22+$0x0], $0xffff  }
0x1ca: {  	v2 =	vld.idx.msk [tilespmem:v32+s22+$0x0], $0xffff  }
0x1cb: {  	v3 =	vld.idx.msk [tilespmem:v30+s22+$0x0], $0xffff  }
0x1cc: {  	v4 =	vld.idx.msk [tilespmem:v31+s22+$0x0], $0xffff;
	_ =	sdelay $0x2  }
0x1cd: {  	v5 =	vmax.f32 v33, v34  }
0x1ce: {  	v5 =	vmax.f32 v38, v5;
	v6 =	vmax.f32 v35, v36;
	v7 =	vmax.f32 v37, v39  }
0x1cf: {  	s5 =	sadd.s32 s19, s17;
	[tilespmem:s31+$0x0] =	vst v5;
	v1 =	vmax.f32 v1, v2;
	v2 =	vmax.f32 v3, v4;
	v3 =	vmax.f32 v6, v7  }
0x1d0: {  	s5 =	sshrl.u32 s5, $0x3;
	v1 =	vmax.f32 v1, v2;
	[tilespmem:s31+$0x10] =	vst v3  }
0x1d1: {  	s5 =	sadd.s32 s2, s5;
	[tilespmem:s31+$0x20] =	vst v1  }
0x1d2: {  	[hbm4b:s5+s20] =	stream.strided.scatter [tilespmem:s28], [sflag:$0x5], $0x2000, s21, s20, $0x38;
	[tilespmem:$0x1E000] =	vst v63  }
0x1d3: {  	s7 =	simm.s32 @!p0 $0x400;
	s5 =	sadd.s32 @!p0 s6, s18;
	_ =	swait.ge [sflag:s29], $0x8000  }
0x1d4: {  	s9 =	simm.s32 @!p0 $0x8000;
	s5 =	sshrl.u32 @!p0 s5, $0x3;
	[sflag:s29] =	ssyncset.done $0x0  }
0x1d5: {  	s6 =	simm.s32 @!p0 $0x80;
	s5 =	sadd.s32 @!p0 s1, s5;
	[sflag:s29] =	ssyncadd.s32 $0xFFFF8000  }
0x1d6: {  	[tilespmem:s9], [sflag:$0x2] =	stream.strided.gather @!p0 [hbm4b:s5+s6], $0x8000, s7, s6, $0x38;
	[tilespmem:$0x1E000] =	vst v63  }
0x1d7: {  	_ =	swait.ge @p1 [sflag:s0], $0x2000  }
0x1d8: {  	v2 =	vld [tilespmem:$0x1FF80]  }
0x1d9: {  	v3 =	vld [tilespmem:$0x1FF90]  }
0x1da: {  	v51 =	vld [tilespmem:$0x1FFA0]  }
0x1db: {  	v52 =	vld [tilespmem:$0x1FFB0]  }
0x1dc: {  	v53 =	vld [tilespmem:$0x1FFC0]  }
0x1dd: {  	v54 =	vld [tilespmem:$0x1FFD0]  }
0x1de: {  	[sflag:s0] =	ssyncset.done @p1 $0x0;
	v8 =	vld [tilespmem:$0x1FFE0]  }
0x1df: {  	v28 =	vld [tilespmem:$0x1FFF0];
	[sflag:s0] =	ssyncadd.s32 @p1 $0xFFFFE000  }
0x1e0: {  	v1 =	vld.idx.msk [tilespmem:v0+s24+$0x0], $0xffff  }
0x1e1: {  	v29 =	vld.idx.msk [tilespmem:v9+s24+$0x0], $0xffff  }
0x1e2: {  	v30 =	vld.idx.msk [tilespmem:v10+s24+$0x0], $0xffff  }
0x1e3: {  	v31 =	vld.idx.msk [tilespmem:v11+s24+$0x0], $0xffff  }
0x1e4: {  	v55 =	vld.idx.msk [tilespmem:v12+s24+$0x0], $0xffff  }
0x1e5: {  	v56 =	vld.idx.msk [tilespmem:v13+s24+$0x0], $0xffff  }
0x1e6: {  	v57 =	vld.idx.msk [tilespmem:v14+s24+$0x0], $0xffff  }
0x1e7: {  	v58 =	vld.idx.msk [tilespmem:v15+s24+$0x0], $0xffff  }
0x1e8: {  	v59 =	vld.idx.msk [tilespmem:v16+s24+$0x0], $0xffff  }
0x1e9: {  	v60 =	vld.idx.msk [tilespmem:v17+s24+$0x0], $0xffff  }
0x1ea: {  	v2 =	vld.idx.msk [tilespmem:v2+s24+$0x0], $0xffff  }
0x1eb: {  	v3 =	vld.idx.msk [tilespmem:v3+s24+$0x0], $0xffff  }
0x1ec: {  	v4 =	vld.idx.msk [tilespmem:v51+s24+$0x0], $0xffff  }
0x1ed: {  	v5 =	vld.idx.msk [tilespmem:v52+s24+$0x0], $0xffff  }
0x1ee: {  	v6 =	vld.idx.msk [tilespmem:v53+s24+$0x0], $0xffff  }
0x1ef: {  	v7 =	vld.idx.msk [tilespmem:v54+s24+$0x0], $0xffff  }
0x1f0: {  	v8 =	vld.idx.msk [tilespmem:v8+s24+$0x0], $0xffff  }
0x1f1: {  	v28 =	vld.idx.msk [tilespmem:v28+s24+$0x0], $0xffff  }
0x1f2: {  	v40 =	vld.idx.msk [tilespmem:v18+s24+$0x0], $0xffff  }
0x1f3: {  	v61 =	vld.idx.msk [tilespmem:v19+s24+$0x0], $0xffff;
	v2 =	vmax.f32 v2, v3;
	v3 =	vmax.f32 v4, v5  }
0x1f4: {  	s6 =	simm.s32 $0x1C040;
	v62 =	vld.idx.msk [tilespmem:v21+s24+$0x0], $0xffff;
	v2 =	vmax.f32 v2, v3  }
0x1f5: {  	v33 =	vld.idx.msk [tilespmem:v22+s24+$0x0], $0xffff;
	v1 =	vmax.f32 v1, v6;
	[tilespmem:s6+$0x30] =	vst v2;
	v2 =	vmax.f32 v7, v8  }
0x1f6: {  	v63 =	vmax.f32 v30, v31;
	v3 =	vld.idx.msk [tilespmem:v20+s24+$0x0], $0xffff;
	v1 =	vmax.f32 v1, v2;
	v2 =	vmax.f32 v28, v29  }
0x1f7: {  	v32 =	vadd.s32 $0x181, v0;
	v34 =	vld.idx.msk [tilespmem:v23+s24+$0x0], $0xffff;
	v29 =	vadd.s32 $0x180, v0;
	[tilespmem:s6+$0xFFFFFFC0] =	vst v1;
	v1 =	vmax.f32 v2, v63  }
0x1f8: {  	v35 =	vld.idx.msk [tilespmem:v24+s24+$0x0], $0xffff;
	v30 =	vadd.s32 $0x182, v0;
	v2 =	vmax.f32 v57, v58;
	[tilespmem:s6+$0xFFFFFFD0] =	vst v1;
	v1 =	vmax.f32 v55, v56  }
0x1f9: {  	v36 =	vld.idx.msk [tilespmem:v25+s24+$0x0], $0xffff;
	v4 =	vmax.f32 v40, v61;
	v1 =	vmax.f32 v1, v2;
	v2 =	vmax.f32 v59, v60  }
0x1fa: {  	v37 =	vld.idx.msk [tilespmem:v26+s24+$0x0], $0xffff;
	v31 =	vadd.s32 $0x183, v0;
	[tilespmem:s6+$0xFFFFFFE0] =	vst v1;
	v1 =	vmax.f32 v2, v4  }
0x1fb: {  	s7 =	simm.s32 $0x0;
	v39 =	vld.idx.msk [tilespmem:v27+s24+$0x0], $0xffff;
	v28 =	vadd.s32 $0x200, v0;
	v38 =	vmax.f32 v3, v62;
	[tilespmem:s6+$0xFFFFFFF0] =	vst v1  }
.LBB2_15:
0x1fc: {  	v1 =	vor.u32 $0x1, v28;
	v2 =	vor.u32 $0x2, v28;
	v3 =	vadd.s32 $0x1C0, v28;
	v4 =	vld.idx.msk [tilespmem:v29+s24+$0x0], $0xffff  }
0x1fd: {  	v5 =	vor.u32 $0x3, v28;
	v6 =	vadd.s32 $0x40, v28;
	v7 =	vadd.s32 $0x1C1, v28;
	v8 =	vld.idx.msk [tilespmem:v32+s24+$0x0], $0xffff  }
0x1fe: {  	v40 =	vadd.s32 $0x41, v28;
	v41 =	vadd.s32 $0x42, v28;
	v29 =	vadd.s32 $0x1C2, v28;
	v42 =	vld.idx.msk [tilespmem:v30+s24+$0x0], $0xffff  }
0x1ff: {  	v43 =	vadd.s32 $0x43, v28;
	v44 =	vadd.s32 $0x80, v28;
	s7 =	sadd.s32 $0x8, s7;
	v30 =	vadd.s32 $0x1C3, v28;
	v45 =	vld.idx.msk [tilespmem:v31+s24+$0x0], $0xffff  }
0x200: {  	v47 =	vadd.s32 $0x81, v28;
	v48 =	vadd.s32 $0x82, v28;
	v49 =	vadd.s32 $0x83, v28;
	p0 =	slt.u32 s7, $0x1F8;
	v46 =	vld.idx.msk [tilespmem:v28+s24+$0x0], $0xffff  }
0x201: {  	v50 =	vadd.s32 $0xC0, v28;
	v51 =	vadd.s32 $0xC1, v28;
	v52 =	vadd.s32 $0xC2, v28;
	v3 =	vld.idx.msk [tilespmem:v3+s24+$0x0], $0xffff  }
0x202: {  	v53 =	vadd.s32 $0xC3, v28;
	v54 =	vadd.s32 $0x100, v28;
	v55 =	vadd.s32 $0x101, v28;
	v7 =	vld.idx.msk [tilespmem:v7+s24+$0x0], $0xffff  }
0x203: {  	v56 =	vadd.s32 $0x102, v28;
	v57 =	vadd.s32 $0x103, v28;
	v58 =	vadd.s32 $0x140, v28;
	v59 =	vld.idx.msk [tilespmem:v29+s24+$0x0], $0xffff  }
0x204: {  	v60 =	vadd.s32 $0x141, v28;
	v61 =	vadd.s32 $0x142, v28;
	v62 =	vadd.s32 $0x143, v28;
	v63 =	vld.idx.msk [tilespmem:v30+s24+$0x0], $0xffff  }
0x205: {  	v32 =	vadd.s32 $0x181, v28;
	v29 =	vadd.s32 $0x180, v28;
	v30 =	vadd.s32 $0x182, v28;
	v1 =	vld.idx.msk [tilespmem:v1+s24+$0x0], $0xffff  }
0x206: {  	v33 =	vmax.f32 v33, v34;
	v34 =	vmax.f32 v35, v36;
	v31 =	vadd.s32 $0x183, v28;
	v2 =	vld.idx.msk [tilespmem:v2+s24+$0x0], $0xffff  }
0x207: {  	v35 =	vmax.f32 v37, v39;
	v4 =	vmax.f32 v4, v8;
	v8 =	vmax.f32 v42, v45;
	v5 =	vld.idx.msk [tilespmem:v5+s24+$0x0], $0xffff  }
0x208: {  	v33 =	vmax.f32 v38, v33;
	v34 =	vmax.f32 v34, v35;
	v4 =	vmax.f32 v4, v8;
	v6 =	vld.idx.msk [tilespmem:v6+s24+$0x0], $0xffff  }
0x209: {  	v8 =	vld.idx.msk [tilespmem:v40+s24+$0x0], $0xffff;
	[tilespmem:s6+$0x0] =	vst v33  }
0x20a: {  	v3 =	vmax.f32 v3, v7;
	v7 =	vmax.f32 v59, v63;
	v33 =	vld.idx.msk [tilespmem:v41+s24+$0x0], $0xffff;
	[tilespmem:s6+$0x10] =	vst v34  }
0x20b: {  	v1 =	vmax.f32 v46, v1;
	v3 =	vmax.f32 v3, v7;
	v34 =	vld.idx.msk [tilespmem:v43+s24+$0x0], $0xffff;
	[tilespmem:s6+$0x20] =	vst v4;
	s6 =	sadd.s32 $0x80, s6  }
0x20c: {  	v4 =	vld.idx.msk [tilespmem:v44+s24+$0x0], $0xffff;
	[tilespmem:s6+$0x30] =	vst v3  }
0x20d: {  	v2 =	vmax.f32 v2, v5;
	v3 =	vld.idx.msk [tilespmem:v47+s24+$0x0], $0xffff  }
0x20e: {  	v1 =	vmax.f32 v1, v2;
	v2 =	vld.idx.msk [tilespmem:v48+s24+$0x0], $0xffff  }
0x20f: {  	[tilespmem:s6+$0xFFFFFFC0] =	vst v1;
	v1 =	vmax.f32 v6, v8;
	v5 =	vld.idx.msk [tilespmem:v49+s24+$0x0], $0xffff  }
0x210: {  	v6 =	vld.idx.msk [tilespmem:v50+s24+$0x0], $0xffff  }
0x211: {  	v7 =	vmax.f32 v33, v34;
	v8 =	vld.idx.msk [tilespmem:v51+s24+$0x0], $0xffff  }
0x212: {  	v1 =	vmax.f32 v1, v7;
	v7 =	vld.idx.msk [tilespmem:v52+s24+$0x0], $0xffff  }
0x213: {  	[tilespmem:s6+$0xFFFFFFD0] =	vst v1;
	v1 =	vmax.f32 v4, v3;
	v3 =	vld.idx.msk [tilespmem:v53+s24+$0x0], $0xffff  }
0x214: {  	v4 =	vld.idx.msk [tilespmem:v54+s24+$0x0], $0xffff  }
0x215: {  	v2 =	vmax.f32 v2, v5;
	v5 =	vld.idx.msk [tilespmem:v55+s24+$0x0], $0xffff  }
0x216: {  	v1 =	vmax.f32 v1, v2;
	v33 =	vld.idx.msk [tilespmem:v56+s24+$0x0], $0xffff  }
.Ltmp6:
0x217: {  	[tilespmem:s6+$0xFFFFFFE0] =	vst v1;
	v1 =	vmax.f32 v6, v8;
	v34 =	vld.idx.msk [tilespmem:v57+s24+$0x0], $0xffff;
	(pc) =	sbr.rel @p0 .LBB2_15-.Ltmp6, $4  }
0x218: {  	v35 =	vld.idx.msk [tilespmem:v58+s24+$0x0], $0xffff  }
0x219: {  	v2 =	vmax.f32 v7, v3;
	v36 =	vld.idx.msk [tilespmem:v60+s24+$0x0], $0xffff  }
0x21a: {  	v1 =	vmax.f32 v1, v2;
	v37 =	vld.idx.msk [tilespmem:v61+s24+$0x0], $0xffff  }
0x21b: {  	v28 =	vadd.s32 $0x200, v28;
	v38 =	vmax.f32 v4, v5;
	[tilespmem:s6+$0xFFFFFFF0] =	vst v1;
	v39 =	vld.idx.msk [tilespmem:v62+s24+$0x0], $0xffff  }
0x21c: {  	_ =	sdelay $0x3  }
0x21d: {  	v1 =	vld.idx.msk [tilespmem:v29+s24+$0x0], $0xffff  }
0x21e: {  	v2 =	vld.idx.msk [tilespmem:v32+s24+$0x0], $0xffff  }
0x21f: {  	v3 =	vld.idx.msk [tilespmem:v30+s24+$0x0], $0xffff  }
0x220: {  	v4 =	vld.idx.msk [tilespmem:v31+s24+$0x0], $0xffff;
	_ =	sdelay $0x1  }
0x221: {  	s13 =	sadd.s32 $0x1, s13  }
0x222: {  	v5 =	vmax.f32 v33, v34;
	p0 =	sne.s32 s13, $0x8  }
.Ltmp7:
0x223: {  	s5 =	sshll.u32 s14, $0x10;
	v5 =	vmax.f32 v38, v5;
	v6 =	vmax.f32 v35, v36;
	v7 =	vmax.f32 v37, v39;
	(pc) =	sbr.rel @p0 .LBB2_10-.Ltmp7, $4  }
0x224: {  	s5 =	sadd.s32 s15, s5;
	[tilespmem:s6+$0x0] =	vst v5;
	v1 =	vmax.f32 v1, v2;
	v2 =	vmax.f32 v3, v4;
	v3 =	vmax.f32 v6, v7  }
0x225: {  	s5 =	sshrl.u32 s5, $0x3;
	v1 =	vmax.f32 v1, v2;
	[tilespmem:s6+$0x10] =	vst v3  }
0x226: {  	s5 =	sadd.s32 s2, s5;
	[tilespmem:s6+$0x20] =	vst v1  }
0x227: {  	[hbm4b:s5+s20] =	stream.strided.scatter [tilespmem:s30], [sflag:$0x6], $0x2000, s21, s20, $0x38;
	[tilespmem:$0x1E000] =	vst v63  }
0x228: {  	s5 =	simm.s32 $0x4  }
0x229: {  	_ =	swait.ge [sflag:s5], $0x2000  }
0x22a: {  	[sflag:s5] =	ssyncset.done $0x0  }
0x22b: {  	[sflag:s5] =	ssyncadd.s32 $0xFFFFE000  }
0x22c: {  	_ =	swait.ge [sflag:s3], $0x2000  }
0x22d: {  	[sflag:s3] =	ssyncset.done $0x0  }
0x22e: {  	[sflag:s3] =	ssyncadd.s32 $0xFFFFE000  }
0x22f: {  	_ =	swait.ge [sflag:s0], $0x2000  }
0x230: {  	s6 =	rddreg [dreg:$0xa]  }
0x231: {  	s31 =	rddreg [dreg:$0x9];
	s6 =	sadd.s32 $0x1, s6  }
0x232: {  	p0 =	sne.s32 s6, s31  }
.Ltmp8:
0x233: {  	_ = 	snop;
	(pc) =	sbr.rel @p0 .LBB2_1-.Ltmp8, $3  }
0x234: {  	_ =	sdelay $0x1  }
0x235: {  	[sflag:s0] =	ssyncset.done $0x0  }
0x236: {  	[sflag:s0] =	ssyncadd.s32 $0xFFFFE000  }
0x237: {  	_ =	sfence.sel $0x180000  }
0x238: {  	[bflag:$0x0] =	sbarrier.arrive $0xFFFF  }
0x239: {  	_ =	strace $0x90000047  }
0x23a: {  	s0 =	stileid.u32;
	[bflag:$0x2] =	sbarrier.arrive $0xFFFF  }
0x23b: {  	p0 =	sne.s32 s0, $0x0;
	s0 =	rddreg [dreg:$0x2]  }
0x23c: {  	s0 =	sadd.s32 @!p0 $0x100000, s0  }
0x23d: {  	[sflag:s0] =	ssyncadd.tile.s32 @!p0 $0x1;
	_ =	shalt  }
.Lfunc_end2:
_tile_overlayer_lowered:
.L_overlay_start_2:
0x23e: {  	(tag) =	ssettag $0x2  }
0x23f: {  	s0 =	rddreg [dreg:$0x0];
	s2 =	stileid.u32  }
0x240: {  	s1 =	rddreg [dreg:$0x1];
	p0 =	sne.s32 s2, $0x0  }
0x241: {  	s3 =	rddreg [dreg:$0x2];
	[bflag:$0x3] =	sbarrier.arrive $0xFFFF;
	s2 =	simm.s32 @!p0 $0x1C07  }
0x242: {  	[timem:s3], [sflag:s2] =	dma.local @!p0 [hbm:s0], s1  }
0x243: {  	s0 =	simm.s32 @!p0 $0x7  }
0x244: {  	_ =	swait.ge @!p0 [sflag:s0], s1  }
0x245: {  	s1 =	ssub.s32 @!p0 $0x0, s1;
	[sflag:s0] =	ssyncset.done @!p0 $0x0  }
0x246: {  	[sflag:s0] =	ssyncadd.s32 @!p0 s1  }
0x247: {  	[bflag:$0x3] =	sbarrier.arrive $0xFFFF  }
0x248: {  	_ =	shalt  }

</sc_bundles>
